<compile_context>
chip_gen: v7x
topology: tpu7x:2x2x1
jax: 0.10.2.dev20260603
libtpu: 0.0.44.dev20260713+nightly
codegen_flags: <defaults>
</compile_context>

<pallas_src>
import functools

import jax
import jax.numpy as jnp
from jax import lax
from jax.experimental import pallas as pl
from jax.experimental.pallas import tpu as pltpu
from jax.experimental.pallas import tpu_sc as plsc

NC = 2
NS = 16
NW = NC * NS

R = 4


def _sc_gather(x, table):
    B0, B1 = x.shape
    _, D = table.shape
    rows_w = B0 // NW
    n_chunks = rows_w // R
    mesh = plsc.VectorSubcoreMesh(core_axis_name="c", subcore_axis_name="s")

    @functools.partial(
        pl.kernel,
        mesh=mesh,
        compiler_params=pltpu.CompilerParams(use_tc_tiling_on_sc=False),
        out_type=jax.ShapeDtypeStruct((B0, B1, D), jnp.float32),
        scratch_types=[
            pltpu.VMEM((rows_w, B1), jnp.int32),
            pltpu.VMEM((2, R, B1, D), jnp.float32),
            pltpu.SemaphoreType.DMA,
            pltpu.SemaphoreType.DMA,
        ],
    )
    def k(x_hbm, table_hbm, out_hbm, idx_v, rows_v, gsem, ssem):
        wid = lax.axis_index("s") * NC + lax.axis_index("c")
        wrow = wid * rows_w

        pltpu.sync_copy(x_hbm.at[pl.ds(wrow, rows_w)], idx_v)

        def fire_gathers(c, b):
            return [
                pltpu.async_copy(
                    table_hbm.at[idx_v.at[c * R + r]],
                    rows_v.at[b].at[r],
                    gsem,
                )
                for r in range(R)
            ]

        def wait_gathers(c, b):
            for r in range(R):
                pltpu.make_async_copy(
                    table_hbm.at[idx_v.at[c * R + r]],
                    rows_v.at[b].at[r],
                    gsem,
                ).wait()

        def store(c, b):
            return pltpu.async_copy(
                rows_v.at[b], out_hbm.at[pl.ds(wrow + c * R, R)], ssem
            )

        def wait_store(c, b):
            pltpu.make_async_copy(
                rows_v.at[b], out_hbm.at[pl.ds(wrow + c * R, R)], ssem
            ).wait()

        for h in fire_gathers(0, 0):
            h.wait()
        store(0, 0)
        fire_gathers(1, 1)

        def pair_body(p, carry):
            for b, i in ((1, 2 * p + 1), (0, 2 * p + 2)):
                wait_gathers(i, b)
                wait_store(i - 1, 1 - b)
                fire_gathers(i + 1, 1 - b)
                store(i, b)
            return carry

        lax.fori_loop(0, (n_chunks - 2) // 2, pair_body, 0)

        last = n_chunks - 1
        lb = last % 2
        wait_gathers(last, lb)
        wait_store(last - 1, 1 - lb)
        store(last, lb).wait()

    return k(x, table)


def kernel(x, table):
    return _sc_gather(x, table)

# --- scband reference (transcript-rebuilt; emitter-appended) ---
"""Pipeline reference for scband-wte-40209483825260 (READ-ONLY COPY).

The authoritative reference and input builder live on the scoring server;
editing this copy changes nothing except your own understanding.
"""

import jax, jax.numpy as jnp
import numpy as np

VOCAB_SIZE = 1000000
D_MODEL = 64

def setup_inputs(seed: int = 0) -> dict:
    key = jax.random.key(seed)
    k_idx, k_tab = jax.random.split(key)
    x = jax.random.randint(k_idx, (4096, 200), 0, VOCAB_SIZE, dtype=jnp.int64 if jax.config.read('jax_enable_x64') else jnp.int32)
    table = jax.random.normal(k_tab, (VOCAB_SIZE, D_MODEL), dtype=jnp.float32) * 0.02
    return {"x": x, "table": table}

def reference(x, table):
    # tf.keras.layers.Embedding: plain row gather from the embedding table
    return jnp.take(table, x, axis=0)

if __name__ == "__main__":
    import jax
    _d = setup_inputs()
    print(jax.jit(kernel)(*tuple(_d.values())))

</pallas_src>

<mosaic_0001>
#map = affine_map<(d0, d1) -> (0, 0)>
#map1 = affine_map<(d0, d1) -> (0, 0, 0)>
module attributes {stable_mosaic.version = 14 : i64} {
  func.func @k(%arg0: i32, %arg1: i32, %arg2: memref<4096x200xi32, #tpu.memory_space<hbm>>, %arg3: memref<1000000x64xf32, #tpu.memory_space<hbm>>, %arg4: memref<4096x200x64xf32, #tpu.memory_space<hbm>>, %arg5: memref<128x200xi32, #tpu.memory_space<vmem>>, %arg6: memref<2x4x200x64xf32, #tpu.memory_space<vmem>>, %arg7: memref<!tpu.dma_semaphore, #tpu.memory_space<semaphore_mem>>, %arg8: memref<!tpu.dma_semaphore, #tpu.memory_space<semaphore_mem>>) attributes {dimension_semantics = [#tpu.dimension_semantics<core_parallel>, #tpu.dimension_semantics<subcore_parallel>], iteration_bounds = array<i64: 2, 16>, scalar_prefetch = 0 : i64, scratch_operands = 4 : i64, tpu.core_type = #tpu.core_type<sc_vector_subcore>, window_params = [{transform_indices = #map}, {transform_indices = #map}, {transform_indices = #map1}]} {
    %mul3A = arith.constant 2 : i32
    %mul3A_0 = arith.muli %arg1, %mul3A : i32
    %add3A = arith.addi %mul3A_0, %arg0 : i32
    %mul3A_1 = arith.constant 128 : i32
    %mul3A_2 = arith.muli %add3A, %mul3A_1 : i32
    "tpu.region"() ({
      %run_scoped3A = tpu.sem_alloc : memref<!tpu.dma_semaphore, #tpu.memory_space<semaphore_mem>>
      %dma_start3A_368 = arith.constant 0 : i32
      %dma_start3A_369 = tpu.memref_slice %arg2[%mul3A_2, %dma_start3A_368] : memref<4096x200xi32, #tpu.memory_space<hbm>> -> memref<128x200xi32, #tpu.memory_space<hbm>>
      %dma_start3A_370 = arith.constant 0 : i32
      %dma_start3A_371 = tpu.memref_slice %arg2[%mul3A_2, %dma_start3A_370] : memref<4096x200xi32, #tpu.memory_space<hbm>> -> memref<128x200xi32, #tpu.memory_space<hbm>>
      tpu.enqueue_dma source(%dma_start3A_371 : memref<128x200xi32, #tpu.memory_space<hbm>>) target(%arg5 : memref<128x200xi32, #tpu.memory_space<vmem>>) target_semaphore(%run_scoped3A : memref<!tpu.dma_semaphore, #tpu.memory_space<semaphore_mem>>)
      %dma_wait3A_372 = arith.constant 0 : i32
      %dma_wait3A_373 = tpu.memref_slice %arg2[%mul3A_2, %dma_wait3A_372] : memref<4096x200xi32, #tpu.memory_space<hbm>> -> memref<128x200xi32, #tpu.memory_space<hbm>>
      %dma_wait3A_374 = arith.constant 0 : i32
      %dma_wait3A_375 = tpu.memref_slice %arg2[%mul3A_2, %dma_wait3A_374] : memref<4096x200xi32, #tpu.memory_space<hbm>> -> memref<128x200xi32, #tpu.memory_space<hbm>>
      tpu.wait_dma2 semaphore(%run_scoped3A : memref<!tpu.dma_semaphore, #tpu.memory_space<semaphore_mem>>) src(%dma_wait3A_375 : memref<128x200xi32, #tpu.memory_space<hbm>>) dst(%arg5 : memref<128x200xi32, #tpu.memory_space<vmem>>)
      tpu.yield
    }) : () -> ()
    %dma_start3A = arith.constant 0 : i32
    %dma_start3A_3 = arith.constant 0 : i32
    %dma_start3A_4 = arith.constant 0 : i32
    %dma_start3A_5 = arith.constant 0 : i32
    %dma_start3A_6 = arith.constant 0 : i32
    %dma_start3A_7 = arith.constant 0 : i32
    %dma_start3A_8 = tpu.memref_slice %arg6[%dma_start3A_3, %dma_start3A_5, %dma_start3A_6, %dma_start3A_7] : memref<2x4x200x64xf32, #tpu.memory_space<vmem>> -> memref<1x4x200x64xf32, #tpu.memory_space<vmem>>
    %dma_start3A_9 = tpu.memref_squeeze %dma_start3A_8 : memref<1x4x200x64xf32, #tpu.memory_space<vmem>> -> memref<4x200x64xf32, #tpu.memory_space<vmem>>
    %dma_start3A_10 = arith.constant 0 : i32
    %dma_start3A_11 = arith.constant 0 : i32
    %dma_start3A_12 = tpu.memref_slice %dma_start3A_9[%dma_start3A_4, %dma_start3A_10, %dma_start3A_11] : memref<4x200x64xf32, #tpu.memory_space<vmem>> -> memref<1x200x64xf32, #tpu.memory_space<vmem>>
    %dma_start3A_13 = tpu.memref_squeeze %dma_start3A_12 : memref<1x200x64xf32, #tpu.memory_space<vmem>> -> memref<200x64xf32, #tpu.memory_space<vmem>>
    %dma_start3A_14 = arith.constant 0 : i32
    %dma_start3A_15 = tpu.memref_slice %arg5[%dma_start3A, %dma_start3A_14] : memref<128x200xi32, #tpu.memory_space<vmem>> -> memref<1x200xi32, #tpu.memory_space<vmem>>
    %dma_start3A_16 = tpu.memref_squeeze %dma_start3A_15 : memref<1x200xi32, #tpu.memory_space<vmem>> -> memref<200xi32, #tpu.memory_space<vmem>>
    %dma_start3A_17 = arith.constant 0 : i32
    %dma_start3A_18 = arith.constant 0 : i32
    %dma_start3A_19 = tpu.memref_slice %arg3[%dma_start3A_17, %dma_start3A_18] : memref<1000000x64xf32, #tpu.memory_space<hbm>> -> memref<1000000x64xf32, #tpu.memory_space<hbm>>
    tpu.enqueue_indirect_dma source(%dma_start3A_19 : memref<1000000x64xf32, #tpu.memory_space<hbm>>) target(%dma_start3A_13 : memref<200x64xf32, #tpu.memory_space<vmem>>) offsets(%dma_start3A_16 : memref<200xi32, #tpu.memory_space<vmem>>) semaphore(%arg7 : memref<!tpu.dma_semaphore, #tpu.memory_space<semaphore_mem>>)
    %dma_start3A_20 = arith.constant 1 : i32
    %dma_start3A_21 = arith.constant 0 : i32
    %dma_start3A_22 = arith.constant 1 : i32
    %dma_start3A_23 = arith.constant 0 : i32
    %dma_start3A_24 = arith.constant 0 : i32
    %dma_start3A_25 = arith.constant 0 : i32
    %dma_start3A_26 = tpu.memref_slice %arg6[%dma_start3A_21, %dma_start3A_23, %dma_start3A_24, %dma_start3A_25] : memref<2x4x200x64xf32, #tpu.memory_space<vmem>> -> memref<1x4x200x64xf32, #tpu.memory_space<vmem>>
    %dma_start3A_27 = tpu.memref_squeeze %dma_start3A_26 : memref<1x4x200x64xf32, #tpu.memory_space<vmem>> -> memref<4x200x64xf32, #tpu.memory_space<vmem>>
    %dma_start3A_28 = arith.constant 0 : i32
    %dma_start3A_29 = arith.constant 0 : i32
    %dma_start3A_30 = tpu.memref_slice %dma_start3A_27[%dma_start3A_22, %dma_start3A_28, %dma_start3A_29] : memref<4x200x64xf32, #tpu.memory_space<vmem>> -> memref<1x200x64xf32, #tpu.memory_space<vmem>>
    %dma_start3A_31 = tpu.memref_squeeze %dma_start3A_30 : memref<1x200x64xf32, #tpu.memory_space<vmem>> -> memref<200x64xf32, #tpu.memory_space<vmem>>
    %dma_start3A_32 = arith.constant 0 : i32
    %dma_start3A_33 = tpu.memref_slice %arg5[%dma_start3A_20, %dma_start3A_32] : memref<128x200xi32, #tpu.memory_space<vmem>> -> memref<1x200xi32, #tpu.memory_space<vmem>>
    %dma_start3A_34 = tpu.memref_squeeze %dma_start3A_33 : memref<1x200xi32, #tpu.memory_space<vmem>> -> memref<200xi32, #tpu.memory_space<vmem>>
    %dma_start3A_35 = arith.constant 0 : i32
    %dma_start3A_36 = arith.constant 0 : i32
    %dma_start3A_37 = tpu.memref_slice %arg3[%dma_start3A_35, %dma_start3A_36] : memref<1000000x64xf32, #tpu.memory_space<hbm>> -> memref<1000000x64xf32, #tpu.memory_space<hbm>>
    tpu.enqueue_indirect_dma source(%dma_start3A_37 : memref<1000000x64xf32, #tpu.memory_space<hbm>>) target(%dma_start3A_31 : memref<200x64xf32, #tpu.memory_space<vmem>>) offsets(%dma_start3A_34 : memref<200xi32, #tpu.memory_space<vmem>>) semaphore(%arg7 : memref<!tpu.dma_semaphore, #tpu.memory_space<semaphore_mem>>)
    %dma_start3A_38 = arith.constant 2 : i32
    %dma_start3A_39 = arith.constant 0 : i32
    %dma_start3A_40 = arith.constant 2 : i32
    %dma_start3A_41 = arith.constant 0 : i32
    %dma_start3A_42 = arith.constant 0 : i32
    %dma_start3A_43 = arith.constant 0 : i32
    %dma_start3A_44 = tpu.memref_slice %arg6[%dma_start3A_39, %dma_start3A_41, %dma_start3A_42, %dma_start3A_43] : memref<2x4x200x64xf32, #tpu.memory_space<vmem>> -> memref<1x4x200x64xf32, #tpu.memory_space<vmem>>
    %dma_start3A_45 = tpu.memref_squeeze %dma_start3A_44 : memref<1x4x200x64xf32, #tpu.memory_space<vmem>> -> memref<4x200x64xf32, #tpu.memory_space<vmem>>
    %dma_start3A_46 = arith.constant 0 : i32
    %dma_start3A_47 = arith.constant 0 : i32
    %dma_start3A_48 = tpu.memref_slice %dma_start3A_45[%dma_start3A_40, %dma_start3A_46, %dma_start3A_47] : memref<4x200x64xf32, #tpu.memory_space<vmem>> -> memref<1x200x64xf32, #tpu.memory_space<vmem>>
    %dma_start3A_49 = tpu.memref_squeeze %dma_start3A_48 : memref<1x200x64xf32, #tpu.memory_space<vmem>> -> memref<200x64xf32, #tpu.memory_space<vmem>>
    %dma_start3A_50 = arith.constant 0 : i32
    %dma_start3A_51 = tpu.memref_slice %arg5[%dma_start3A_38, %dma_start3A_50] : memref<128x200xi32, #tpu.memory_space<vmem>> -> memref<1x200xi32, #tpu.memory_space<vmem>>
    %dma_start3A_52 = tpu.memref_squeeze %dma_start3A_51 : memref<1x200xi32, #tpu.memory_space<vmem>> -> memref<200xi32, #tpu.memory_space<vmem>>
    %dma_start3A_53 = arith.constant 0 : i32
    %dma_start3A_54 = arith.constant 0 : i32
    %dma_start3A_55 = tpu.memref_slice %arg3[%dma_start3A_53, %dma_start3A_54] : memref<1000000x64xf32, #tpu.memory_space<hbm>> -> memref<1000000x64xf32, #tpu.memory_space<hbm>>
    tpu.enqueue_indirect_dma source(%dma_start3A_55 : memref<1000000x64xf32, #tpu.memory_space<hbm>>) target(%dma_start3A_49 : memref<200x64xf32, #tpu.memory_space<vmem>>) offsets(%dma_start3A_52 : memref<200xi32, #tpu.memory_space<vmem>>) semaphore(%arg7 : memref<!tpu.dma_semaphore, #tpu.memory_space<semaphore_mem>>)
    %dma_start3A_56 = arith.constant 3 : i32
    %dma_start3A_57 = arith.constant 0 : i32
    %dma_start3A_58 = arith.constant 3 : i32
    %dma_start3A_59 = arith.constant 0 : i32
    %dma_start3A_60 = arith.constant 0 : i32
    %dma_start3A_61 = arith.constant 0 : i32
    %dma_start3A_62 = tpu.memref_slice %arg6[%dma_start3A_57, %dma_start3A_59, %dma_start3A_60, %dma_start3A_61] : memref<2x4x200x64xf32, #tpu.memory_space<vmem>> -> memref<1x4x200x64xf32, #tpu.memory_space<vmem>>
    %dma_start3A_63 = tpu.memref_squeeze %dma_start3A_62 : memref<1x4x200x64xf32, #tpu.memory_space<vmem>> -> memref<4x200x64xf32, #tpu.memory_space<vmem>>
    %dma_start3A_64 = arith.constant 0 : i32
    %dma_start3A_65 = arith.constant 0 : i32
    %dma_start3A_66 = tpu.memref_slice %dma_start3A_63[%dma_start3A_58, %dma_start3A_64, %dma_start3A_65] : memref<4x200x64xf32, #tpu.memory_space<vmem>> -> memref<1x200x64xf32, #tpu.memory_space<vmem>>
    %dma_start3A_67 = tpu.memref_squeeze %dma_start3A_66 : memref<1x200x64xf32, #tpu.memory_space<vmem>> -> memref<200x64xf32, #tpu.memory_space<vmem>>
    %dma_start3A_68 = arith.constant 0 : i32
    %dma_start3A_69 = tpu.memref_slice %arg5[%dma_start3A_56, %dma_start3A_68] : memref<128x200xi32, #tpu.memory_space<vmem>> -> memref<1x200xi32, #tpu.memory_space<vmem>>
    %dma_start3A_70 = tpu.memref_squeeze %dma_start3A_69 : memref<1x200xi32, #tpu.memory_space<vmem>> -> memref<200xi32, #tpu.memory_space<vmem>>
    %dma_start3A_71 = arith.constant 0 : i32
    %dma_start3A_72 = arith.constant 0 : i32
    %dma_start3A_73 = tpu.memref_slice %arg3[%dma_start3A_71, %dma_start3A_72] : memref<1000000x64xf32, #tpu.memory_space<hbm>> -> memref<1000000x64xf32, #tpu.memory_space<hbm>>
    tpu.enqueue_indirect_dma source(%dma_start3A_73 : memref<1000000x64xf32, #tpu.memory_space<hbm>>) target(%dma_start3A_67 : memref<200x64xf32, #tpu.memory_space<vmem>>) offsets(%dma_start3A_70 : memref<200xi32, #tpu.memory_space<vmem>>) semaphore(%arg7 : memref<!tpu.dma_semaphore, #tpu.memory_space<semaphore_mem>>)
    %dma_wait3A = arith.constant 0 : i32
    %dma_wait3A_74 = arith.constant 0 : i32
    %dma_wait3A_75 = arith.constant 0 : i32
    %dma_wait3A_76 = arith.constant 0 : i32
    %dma_wait3A_77 = arith.constant 0 : i32
    %dma_wait3A_78 = arith.constant 0 : i32
    %dma_wait3A_79 = tpu.memref_slice %arg6[%dma_wait3A_74, %dma_wait3A_76, %dma_wait3A_77, %dma_wait3A_78] : memref<2x4x200x64xf32, #tpu.memory_space<vmem>> -> memref<1x4x200x64xf32, #tpu.memory_space<vmem>>
    %dma_wait3A_80 = tpu.memref_squeeze %dma_wait3A_79 : memref<1x4x200x64xf32, #tpu.memory_space<vmem>> -> memref<4x200x64xf32, #tpu.memory_space<vmem>>
    %dma_wait3A_81 = arith.constant 0 : i32
    %dma_wait3A_82 = arith.constant 0 : i32
    %dma_wait3A_83 = tpu.memref_slice %dma_wait3A_80[%dma_wait3A_75, %dma_wait3A_81, %dma_wait3A_82] : memref<4x200x64xf32, #tpu.memory_space<vmem>> -> memref<1x200x64xf32, #tpu.memory_space<vmem>>
    %dma_wait3A_84 = tpu.memref_squeeze %dma_wait3A_83 : memref<1x200x64xf32, #tpu.memory_space<vmem>> -> memref<200x64xf32, #tpu.memory_space<vmem>>
    %dma_wait3A_85 = arith.constant 0 : i32
    %dma_wait3A_86 = tpu.memref_slice %arg5[%dma_wait3A, %dma_wait3A_85] : memref<128x200xi32, #tpu.memory_space<vmem>> -> memref<1x200xi32, #tpu.memory_space<vmem>>
    %dma_wait3A_87 = tpu.memref_squeeze %dma_wait3A_86 : memref<1x200xi32, #tpu.memory_space<vmem>> -> memref<200xi32, #tpu.memory_space<vmem>>
    %dma_wait3A_88 = arith.constant 0 : i32
    %dma_wait3A_89 = arith.constant 0 : i32
    %dma_wait3A_90 = tpu.memref_slice %arg3[%dma_wait3A_88, %dma_wait3A_89] : memref<1000000x64xf32, #tpu.memory_space<hbm>> -> memref<1000000x64xf32, #tpu.memory_space<hbm>>
    tpu.wait_indirect_dma semaphore(%arg7 : memref<!tpu.dma_semaphore, #tpu.memory_space<semaphore_mem>>) src(%dma_wait3A_90 : memref<1000000x64xf32, #tpu.memory_space<hbm>>) dst(%dma_wait3A_84 : memref<200x64xf32, #tpu.memory_space<vmem>>)
    %dma_wait3A_91 = arith.constant 1 : i32
    %dma_wait3A_92 = arith.constant 0 : i32
    %dma_wait3A_93 = arith.constant 1 : i32
    %dma_wait3A_94 = arith.constant 0 : i32
    %dma_wait3A_95 = arith.constant 0 : i32
    %dma_wait3A_96 = arith.constant 0 : i32
    %dma_wait3A_97 = tpu.memref_slice %arg6[%dma_wait3A_92, %dma_wait3A_94, %dma_wait3A_95, %dma_wait3A_96] : memref<2x4x200x64xf32, #tpu.memory_space<vmem>> -> memref<1x4x200x64xf32, #tpu.memory_space<vmem>>
    %dma_wait3A_98 = tpu.memref_squeeze %dma_wait3A_97 : memref<1x4x200x64xf32, #tpu.memory_space<vmem>> -> memref<4x200x64xf32, #tpu.memory_space<vmem>>
    %dma_wait3A_99 = arith.constant 0 : i32
    %dma_wait3A_100 = arith.constant 0 : i32
    %dma_wait3A_101 = tpu.memref_slice %dma_wait3A_98[%dma_wait3A_93, %dma_wait3A_99, %dma_wait3A_100] : memref<4x200x64xf32, #tpu.memory_space<vmem>> -> memref<1x200x64xf32, #tpu.memory_space<vmem>>
    %dma_wait3A_102 = tpu.memref_squeeze %dma_wait3A_101 : memref<1x200x64xf32, #tpu.memory_space<vmem>> -> memref<200x64xf32, #tpu.memory_space<vmem>>
    %dma_wait3A_103 = arith.constant 0 : i32
    %dma_wait3A_104 = tpu.memref_slice %arg5[%dma_wait3A_91, %dma_wait3A_103] : memref<128x200xi32, #tpu.memory_space<vmem>> -> memref<1x200xi32, #tpu.memory_space<vmem>>
    %dma_wait3A_105 = tpu.memref_squeeze %dma_wait3A_104 : memref<1x200xi32, #tpu.memory_space<vmem>> -> memref<200xi32, #tpu.memory_space<vmem>>
    %dma_wait3A_106 = arith.constant 0 : i32
    %dma_wait3A_107 = arith.constant 0 : i32
    %dma_wait3A_108 = tpu.memref_slice %arg3[%dma_wait3A_106, %dma_wait3A_107] : memref<1000000x64xf32, #tpu.memory_space<hbm>> -> memref<1000000x64xf32, #tpu.memory_space<hbm>>
    tpu.wait_indirect_dma semaphore(%arg7 : memref<!tpu.dma_semaphore, #tpu.memory_space<semaphore_mem>>) src(%dma_wait3A_108 : memref<1000000x64xf32, #tpu.memory_space<hbm>>) dst(%dma_wait3A_102 : memref<200x64xf32, #tpu.memory_space<vmem>>)
    %dma_wait3A_109 = arith.constant 2 : i32
    %dma_wait3A_110 = arith.constant 0 : i32
    %dma_wait3A_111 = arith.constant 2 : i32
    %dma_wait3A_112 = arith.constant 0 : i32
    %dma_wait3A_113 = arith.constant 0 : i32
    %dma_wait3A_114 = arith.constant 0 : i32
    %dma_wait3A_115 = tpu.memref_slice %arg6[%dma_wait3A_110, %dma_wait3A_112, %dma_wait3A_113, %dma_wait3A_114] : memref<2x4x200x64xf32, #tpu.memory_space<vmem>> -> memref<1x4x200x64xf32, #tpu.memory_space<vmem>>
    %dma_wait3A_116 = tpu.memref_squeeze %dma_wait3A_115 : memref<1x4x200x64xf32, #tpu.memory_space<vmem>> -> memref<4x200x64xf32, #tpu.memory_space<vmem>>
    %dma_wait3A_117 = arith.constant 0 : i32
    %dma_wait3A_118 = arith.constant 0 : i32
    %dma_wait3A_119 = tpu.memref_slice %dma_wait3A_116[%dma_wait3A_111, %dma_wait3A_117, %dma_wait3A_118] : memref<4x200x64xf32, #tpu.memory_space<vmem>> -> memref<1x200x64xf32, #tpu.memory_space<vmem>>
    %dma_wait3A_120 = tpu.memref_squeeze %dma_wait3A_119 : memref<1x200x64xf32, #tpu.memory_space<vmem>> -> memref<200x64xf32, #tpu.memory_space<vmem>>
    %dma_wait3A_121 = arith.constant 0 : i32
    %dma_wait3A_122 = tpu.memref_slice %arg5[%dma_wait3A_109, %dma_wait3A_121] : memref<128x200xi32, #tpu.memory_space<vmem>> -> memref<1x200xi32, #tpu.memory_space<vmem>>
    %dma_wait3A_123 = tpu.memref_squeeze %dma_wait3A_122 : memref<1x200xi32, #tpu.memory_space<vmem>> -> memref<200xi32, #tpu.memory_space<vmem>>
    %dma_wait3A_124 = arith.constant 0 : i32
    %dma_wait3A_125 = arith.constant 0 : i32
    %dma_wait3A_126 = tpu.memref_slice %arg3[%dma_wait3A_124, %dma_wait3A_125] : memref<1000000x64xf32, #tpu.memory_space<hbm>> -> memref<1000000x64xf32, #tpu.memory_space<hbm>>
    tpu.wait_indirect_dma semaphore(%arg7 : memref<!tpu.dma_semaphore, #tpu.memory_space<semaphore_mem>>) src(%dma_wait3A_126 : memref<1000000x64xf32, #tpu.memory_space<hbm>>) dst(%dma_wait3A_120 : memref<200x64xf32, #tpu.memory_space<vmem>>)
    %dma_wait3A_127 = arith.constant 3 : i32
    %dma_wait3A_128 = arith.constant 0 : i32
    %dma_wait3A_129 = arith.constant 3 : i32
    %dma_wait3A_130 = arith.constant 0 : i32
    %dma_wait3A_131 = arith.constant 0 : i32
    %dma_wait3A_132 = arith.constant 0 : i32
    %dma_wait3A_133 = tpu.memref_slice %arg6[%dma_wait3A_128, %dma_wait3A_130, %dma_wait3A_131, %dma_wait3A_132] : memref<2x4x200x64xf32, #tpu.memory_space<vmem>> -> memref<1x4x200x64xf32, #tpu.memory_space<vmem>>
    %dma_wait3A_134 = tpu.memref_squeeze %dma_wait3A_133 : memref<1x4x200x64xf32, #tpu.memory_space<vmem>> -> memref<4x200x64xf32, #tpu.memory_space<vmem>>
    %dma_wait3A_135 = arith.constant 0 : i32
    %dma_wait3A_136 = arith.constant 0 : i32
    %dma_wait3A_137 = tpu.memref_slice %dma_wait3A_134[%dma_wait3A_129, %dma_wait3A_135, %dma_wait3A_136] : memref<4x200x64xf32, #tpu.memory_space<vmem>> -> memref<1x200x64xf32, #tpu.memory_space<vmem>>
    %dma_wait3A_138 = tpu.memref_squeeze %dma_wait3A_137 : memref<1x200x64xf32, #tpu.memory_space<vmem>> -> memref<200x64xf32, #tpu.memory_space<vmem>>
    %dma_wait3A_139 = arith.constant 0 : i32
    %dma_wait3A_140 = tpu.memref_slice %arg5[%dma_wait3A_127, %dma_wait3A_139] : memref<128x200xi32, #tpu.memory_space<vmem>> -> memref<1x200xi32, #tpu.memory_space<vmem>>
    %dma_wait3A_141 = tpu.memref_squeeze %dma_wait3A_140 : memref<1x200xi32, #tpu.memory_space<vmem>> -> memref<200xi32, #tpu.memory_space<vmem>>
    %dma_wait3A_142 = arith.constant 0 : i32
    %dma_wait3A_143 = arith.constant 0 : i32
    %dma_wait3A_144 = tpu.memref_slice %arg3[%dma_wait3A_142, %dma_wait3A_143] : memref<1000000x64xf32, #tpu.memory_space<hbm>> -> memref<1000000x64xf32, #tpu.memory_space<hbm>>
    tpu.wait_indirect_dma semaphore(%arg7 : memref<!tpu.dma_semaphore, #tpu.memory_space<semaphore_mem>>) src(%dma_wait3A_144 : memref<1000000x64xf32, #tpu.memory_space<hbm>>) dst(%dma_wait3A_138 : memref<200x64xf32, #tpu.memory_space<vmem>>)
    %add3A_145 = arith.constant 0 : i32
    %add3A_146 = arith.addi %mul3A_2, %add3A_145 : i32
    %dma_start3A_147 = arith.constant 0 : i32
    %dma_start3A_148 = arith.constant 0 : i32
    %dma_start3A_149 = arith.constant 0 : i32
    %dma_start3A_150 = arith.constant 0 : i32
    %dma_start3A_151 = tpu.memref_slice %arg6[%dma_start3A_147, %dma_start3A_148, %dma_start3A_149, %dma_start3A_150] : memref<2x4x200x64xf32, #tpu.memory_space<vmem>> -> memref<1x4x200x64xf32, #tpu.memory_space<vmem>>
    %dma_start3A_152 = tpu.memref_squeeze %dma_start3A_151 : memref<1x4x200x64xf32, #tpu.memory_space<vmem>> -> memref<4x200x64xf32, #tpu.memory_space<vmem>>
    %dma_start3A_153 = arith.constant 0 : i32
    %dma_start3A_154 = arith.constant 0 : i32
    %dma_start3A_155 = tpu.memref_slice %arg4[%add3A_146, %dma_start3A_153, %dma_start3A_154] : memref<4096x200x64xf32, #tpu.memory_space<hbm>> -> memref<4x200x64xf32, #tpu.memory_space<hbm>>
    %dma_start3A_156 = arith.constant 0 : i32
    %dma_start3A_157 = arith.constant 0 : i32
    %dma_start3A_158 = tpu.memref_slice %arg4[%add3A_146, %dma_start3A_156, %dma_start3A_157] : memref<4096x200x64xf32, #tpu.memory_space<hbm>> -> memref<4x200x64xf32, #tpu.memory_space<hbm>>
    %dma_start3A_159 = arith.constant 0 : i32
    %dma_start3A_160 = arith.constant 0 : i32
    %dma_start3A_161 = arith.constant 0 : i32
    %dma_start3A_162 = tpu.memref_slice %arg6[%dma_start3A_147, %dma_start3A_159, %dma_start3A_160, %dma_start3A_161] : memref<2x4x200x64xf32, #tpu.memory_space<vmem>> -> memref<1x4x200x64xf32, #tpu.memory_space<vmem>>
    %dma_start3A_163 = tpu.memref_squeeze %dma_start3A_162 : memref<1x4x200x64xf32, #tpu.memory_space<vmem>> -> memref<4x200x64xf32, #tpu.memory_space<vmem>>
    tpu.enqueue_dma source(%dma_start3A_163 : memref<4x200x64xf32, #tpu.memory_space<vmem>>) target(%dma_start3A_158 : memref<4x200x64xf32, #tpu.memory_space<hbm>>) target_semaphore(%arg8 : memref<!tpu.dma_semaphore, #tpu.memory_space<semaphore_mem>>)
    %dma_start3A_164 = arith.constant 4 : i32
    %dma_start3A_165 = arith.constant 1 : i32
    %dma_start3A_166 = arith.constant 0 : i32
    %dma_start3A_167 = arith.constant 0 : i32
    %dma_start3A_168 = arith.constant 0 : i32
    %dma_start3A_169 = arith.constant 0 : i32
    %dma_start3A_170 = tpu.memref_slice %arg6[%dma_start3A_165, %dma_start3A_167, %dma_start3A_168, %dma_start3A_169] : memref<2x4x200x64xf32, #tpu.memory_space<vmem>> -> memref<1x4x200x64xf32, #tpu.memory_space<vmem>>
    %dma_start3A_171 = tpu.memref_squeeze %dma_start3A_170 : memref<1x4x200x64xf32, #tpu.memory_space<vmem>> -> memref<4x200x64xf32, #tpu.memory_space<vmem>>
    %dma_start3A_172 = arith.constant 0 : i32
    %dma_start3A_173 = arith.constant 0 : i32
    %dma_start3A_174 = tpu.memref_slice %dma_start3A_171[%dma_start3A_166, %dma_start3A_172, %dma_start3A_173] : memref<4x200x64xf32, #tpu.memory_space<vmem>> -> memref<1x200x64xf32, #tpu.memory_space<vmem>>
    %dma_start3A_175 = tpu.memref_squeeze %dma_start3A_174 : memref<1x200x64xf32, #tpu.memory_space<vmem>> -> memref<200x64xf32, #tpu.memory_space<vmem>>
    %dma_start3A_176 = arith.constant 0 : i32
    %dma_start3A_177 = tpu.memref_slice %arg5[%dma_start3A_164, %dma_start3A_176] : memref<128x200xi32, #tpu.memory_space<vmem>> -> memref<1x200xi32, #tpu.memory_space<vmem>>
    %dma_start3A_178 = tpu.memref_squeeze %dma_start3A_177 : memref<1x200xi32, #tpu.memory_space<vmem>> -> memref<200xi32, #tpu.memory_space<vmem>>
    %dma_start3A_179 = arith.constant 0 : i32
    %dma_start3A_180 = arith.constant 0 : i32
    %dma_start3A_181 = tpu.memref_slice %arg3[%dma_start3A_179, %dma_start3A_180] : memref<1000000x64xf32, #tpu.memory_space<hbm>> -> memref<1000000x64xf32, #tpu.memory_space<hbm>>
    tpu.enqueue_indirect_dma source(%dma_start3A_181 : memref<1000000x64xf32, #tpu.memory_space<hbm>>) target(%dma_start3A_175 : memref<200x64xf32, #tpu.memory_space<vmem>>) offsets(%dma_start3A_178 : memref<200xi32, #tpu.memory_space<vmem>>) semaphore(%arg7 : memref<!tpu.dma_semaphore, #tpu.memory_space<semaphore_mem>>)
    %dma_start3A_182 = arith.constant 5 : i32
    %dma_start3A_183 = arith.constant 1 : i32
    %dma_start3A_184 = arith.constant 1 : i32
    %dma_start3A_185 = arith.constant 0 : i32
    %dma_start3A_186 = arith.constant 0 : i32
    %dma_start3A_187 = arith.constant 0 : i32
    %dma_start3A_188 = tpu.memref_slice %arg6[%dma_start3A_183, %dma_start3A_185, %dma_start3A_186, %dma_start3A_187] : memref<2x4x200x64xf32, #tpu.memory_space<vmem>> -> memref<1x4x200x64xf32, #tpu.memory_space<vmem>>
    %dma_start3A_189 = tpu.memref_squeeze %dma_start3A_188 : memref<1x4x200x64xf32, #tpu.memory_space<vmem>> -> memref<4x200x64xf32, #tpu.memory_space<vmem>>
    %dma_start3A_190 = arith.constant 0 : i32
    %dma_start3A_191 = arith.constant 0 : i32
    %dma_start3A_192 = tpu.memref_slice %dma_start3A_189[%dma_start3A_184, %dma_start3A_190, %dma_start3A_191] : memref<4x200x64xf32, #tpu.memory_space<vmem>> -> memref<1x200x64xf32, #tpu.memory_space<vmem>>
    %dma_start3A_193 = tpu.memref_squeeze %dma_start3A_192 : memref<1x200x64xf32, #tpu.memory_space<vmem>> -> memref<200x64xf32, #tpu.memory_space<vmem>>
    %dma_start3A_194 = arith.constant 0 : i32
    %dma_start3A_195 = tpu.memref_slice %arg5[%dma_start3A_182, %dma_start3A_194] : memref<128x200xi32, #tpu.memory_space<vmem>> -> memref<1x200xi32, #tpu.memory_space<vmem>>
    %dma_start3A_196 = tpu.memref_squeeze %dma_start3A_195 : memref<1x200xi32, #tpu.memory_space<vmem>> -> memref<200xi32, #tpu.memory_space<vmem>>
    %dma_start3A_197 = arith.constant 0 : i32
    %dma_start3A_198 = arith.constant 0 : i32
    %dma_start3A_199 = tpu.memref_slice %arg3[%dma_start3A_197, %dma_start3A_198] : memref<1000000x64xf32, #tpu.memory_space<hbm>> -> memref<1000000x64xf32, #tpu.memory_space<hbm>>
    tpu.enqueue_indirect_dma source(%dma_start3A_199 : memref<1000000x64xf32, #tpu.memory_space<hbm>>) target(%dma_start3A_193 : memref<200x64xf32, #tpu.memory_space<vmem>>) offsets(%dma_start3A_196 : memref<200xi32, #tpu.memory_space<vmem>>) semaphore(%arg7 : memref<!tpu.dma_semaphore, #tpu.memory_space<semaphore_mem>>)
    %dma_start3A_200 = arith.constant 6 : i32
    %dma_start3A_201 = arith.constant 1 : i32
    %dma_start3A_202 = arith.constant 2 : i32
    %dma_start3A_203 = arith.constant 0 : i32
    %dma_start3A_204 = arith.constant 0 : i32
    %dma_start3A_205 = arith.constant 0 : i32
    %dma_start3A_206 = tpu.memref_slice %arg6[%dma_start3A_201, %dma_start3A_203, %dma_start3A_204, %dma_start3A_205] : memref<2x4x200x64xf32, #tpu.memory_space<vmem>> -> memref<1x4x200x64xf32, #tpu.memory_space<vmem>>
    %dma_start3A_207 = tpu.memref_squeeze %dma_start3A_206 : memref<1x4x200x64xf32, #tpu.memory_space<vmem>> -> memref<4x200x64xf32, #tpu.memory_space<vmem>>
    %dma_start3A_208 = arith.constant 0 : i32
    %dma_start3A_209 = arith.constant 0 : i32
    %dma_start3A_210 = tpu.memref_slice %dma_start3A_207[%dma_start3A_202, %dma_start3A_208, %dma_start3A_209] : memref<4x200x64xf32, #tpu.memory_space<vmem>> -> memref<1x200x64xf32, #tpu.memory_space<vmem>>
    %dma_start3A_211 = tpu.memref_squeeze %dma_start3A_210 : memref<1x200x64xf32, #tpu.memory_space<vmem>> -> memref<200x64xf32, #tpu.memory_space<vmem>>
    %dma_start3A_212 = arith.constant 0 : i32
    %dma_start3A_213 = tpu.memref_slice %arg5[%dma_start3A_200, %dma_start3A_212] : memref<128x200xi32, #tpu.memory_space<vmem>> -> memref<1x200xi32, #tpu.memory_space<vmem>>
    %dma_start3A_214 = tpu.memref_squeeze %dma_start3A_213 : memref<1x200xi32, #tpu.memory_space<vmem>> -> memref<200xi32, #tpu.memory_space<vmem>>
    %dma_start3A_215 = arith.constant 0 : i32
    %dma_start3A_216 = arith.constant 0 : i32
    %dma_start3A_217 = tpu.memref_slice %arg3[%dma_start3A_215, %dma_start3A_216] : memref<1000000x64xf32, #tpu.memory_space<hbm>> -> memref<1000000x64xf32, #tpu.memory_space<hbm>>
    tpu.enqueue_indirect_dma source(%dma_start3A_217 : memref<1000000x64xf32, #tpu.memory_space<hbm>>) target(%dma_start3A_211 : memref<200x64xf32, #tpu.memory_space<vmem>>) offsets(%dma_start3A_214 : memref<200xi32, #tpu.memory_space<vmem>>) semaphore(%arg7 : memref<!tpu.dma_semaphore, #tpu.memory_space<semaphore_mem>>)
    %dma_start3A_218 = arith.constant 7 : i32
    %dma_start3A_219 = arith.constant 1 : i32
    %dma_start3A_220 = arith.constant 3 : i32
    %dma_start3A_221 = arith.constant 0 : i32
    %dma_start3A_222 = arith.constant 0 : i32
    %dma_start3A_223 = arith.constant 0 : i32
    %dma_start3A_224 = tpu.memref_slice %arg6[%dma_start3A_219, %dma_start3A_221, %dma_start3A_222, %dma_start3A_223] : memref<2x4x200x64xf32, #tpu.memory_space<vmem>> -> memref<1x4x200x64xf32, #tpu.memory_space<vmem>>
    %dma_start3A_225 = tpu.memref_squeeze %dma_start3A_224 : memref<1x4x200x64xf32, #tpu.memory_space<vmem>> -> memref<4x200x64xf32, #tpu.memory_space<vmem>>
    %dma_start3A_226 = arith.constant 0 : i32
    %dma_start3A_227 = arith.constant 0 : i32
    %dma_start3A_228 = tpu.memref_slice %dma_start3A_225[%dma_start3A_220, %dma_start3A_226, %dma_start3A_227] : memref<4x200x64xf32, #tpu.memory_space<vmem>> -> memref<1x200x64xf32, #tpu.memory_space<vmem>>
    %dma_start3A_229 = tpu.memref_squeeze %dma_start3A_228 : memref<1x200x64xf32, #tpu.memory_space<vmem>> -> memref<200x64xf32, #tpu.memory_space<vmem>>
    %dma_start3A_230 = arith.constant 0 : i32
    %dma_start3A_231 = tpu.memref_slice %arg5[%dma_start3A_218, %dma_start3A_230] : memref<128x200xi32, #tpu.memory_space<vmem>> -> memref<1x200xi32, #tpu.memory_space<vmem>>
    %dma_start3A_232 = tpu.memref_squeeze %dma_start3A_231 : memref<1x200xi32, #tpu.memory_space<vmem>> -> memref<200xi32, #tpu.memory_space<vmem>>
    %dma_start3A_233 = arith.constant 0 : i32
    %dma_start3A_234 = arith.constant 0 : i32
    %dma_start3A_235 = tpu.memref_slice %arg3[%dma_start3A_233, %dma_start3A_234] : memref<1000000x64xf32, #tpu.memory_space<hbm>> -> memref<1000000x64xf32, #tpu.memory_space<hbm>>
    tpu.enqueue_indirect_dma source(%dma_start3A_235 : memref<1000000x64xf32, #tpu.memory_space<hbm>>) target(%dma_start3A_229 : memref<200x64xf32, #tpu.memory_space<vmem>>) offsets(%dma_start3A_232 : memref<200xi32, #tpu.memory_space<vmem>>) semaphore(%arg7 : memref<!tpu.dma_semaphore, #tpu.memory_space<semaphore_mem>>)
    %scan3A = arith.constant 0 : i32
    %scan3A_236 = arith.constant 0 : i32
    %scan3A_237 = arith.constant 15 : i32
    %scan3A_238 = arith.addi %scan3A_236, %scan3A_237 : i32
    %scan3A_239 = arith.constant 1 : i32
    scf.for %scan3A_368 = %scan3A_236 to %scan3A_238 step %scan3A_239  : i32 {
      %mul3A_369 = arith.constant 2 : i32
      %mul3A_370 = arith.muli %mul3A_369, %scan3A_368 : i32
      %add3A_371 = arith.constant 1 : i32
      %add3A_372 = arith.addi %mul3A_370, %add3A_371 : i32
      %mul3A_373 = arith.constant 2 : i32
      %mul3A_374 = arith.muli %mul3A_373, %scan3A_368 : i32
      %add3A_375 = arith.constant 2 : i32
      %add3A_376 = arith.addi %mul3A_374, %add3A_375 : i32
      %mul3A_377 = arith.constant 4 : i32
      %mul3A_378 = arith.muli %add3A_372, %mul3A_377 : i32
      %add3A_379 = arith.constant 0 : i32
      %add3A_380 = arith.addi %mul3A_378, %add3A_379 : i32
      %dma_wait3A_381 = arith.constant 1 : i32
      %dma_wait3A_382 = arith.constant 0 : i32
      %dma_wait3A_383 = arith.constant 0 : i32
      %dma_wait3A_384 = arith.constant 0 : i32
      %dma_wait3A_385 = arith.constant 0 : i32
      %dma_wait3A_386 = tpu.memref_slice %arg6[%dma_wait3A_381, %dma_wait3A_383, %dma_wait3A_384, %dma_wait3A_385] : memref<2x4x200x64xf32, #tpu.memory_space<vmem>> -> memref<1x4x200x64xf32, #tpu.memory_space<vmem>>
      %dma_wait3A_387 = tpu.memref_squeeze %dma_wait3A_386 : memref<1x4x200x64xf32, #tpu.memory_space<vmem>> -> memref<4x200x64xf32, #tpu.memory_space<vmem>>
      %dma_wait3A_388 = arith.constant 0 : i32
      %dma_wait3A_389 = arith.constant 0 : i32
      %dma_wait3A_390 = tpu.memref_slice %dma_wait3A_387[%dma_wait3A_382, %dma_wait3A_388, %dma_wait3A_389] : memref<4x200x64xf32, #tpu.memory_space<vmem>> -> memref<1x200x64xf32, #tpu.memory_space<vmem>>
      %dma_wait3A_391 = tpu.memref_squeeze %dma_wait3A_390 : memref<1x200x64xf32, #tpu.memory_space<vmem>> -> memref<200x64xf32, #tpu.memory_space<vmem>>
      %dma_wait3A_392 = arith.constant 0 : i32
      %dma_wait3A_393 = tpu.memref_slice %arg5[%add3A_380, %dma_wait3A_392] : memref<128x200xi32, #tpu.memory_space<vmem>> -> memref<1x200xi32, #tpu.memory_space<vmem>>
      %dma_wait3A_394 = tpu.memref_squeeze %dma_wait3A_393 : memref<1x200xi32, #tpu.memory_space<vmem>> -> memref<200xi32, #tpu.memory_space<vmem>>
      %dma_wait3A_395 = arith.constant 0 : i32
      %dma_wait3A_396 = arith.constant 0 : i32
      %dma_wait3A_397 = tpu.memref_slice %arg3[%dma_wait3A_395, %dma_wait3A_396] : memref<1000000x64xf32, #tpu.memory_space<hbm>> -> memref<1000000x64xf32, #tpu.memory_space<hbm>>
      tpu.wait_indirect_dma semaphore(%arg7 : memref<!tpu.dma_semaphore, #tpu.memory_space<semaphore_mem>>) src(%dma_wait3A_397 : memref<1000000x64xf32, #tpu.memory_space<hbm>>) dst(%dma_wait3A_391 : memref<200x64xf32, #tpu.memory_space<vmem>>)
      %mul3A_398 = arith.constant 4 : i32
      %mul3A_399 = arith.muli %add3A_372, %mul3A_398 : i32
      %add3A_400 = arith.constant 1 : i32
      %add3A_401 = arith.addi %mul3A_399, %add3A_400 : i32
      %dma_wait3A_402 = arith.constant 1 : i32
      %dma_wait3A_403 = arith.constant 1 : i32
      %dma_wait3A_404 = arith.constant 0 : i32
      %dma_wait3A_405 = arith.constant 0 : i32
      %dma_wait3A_406 = arith.constant 0 : i32
      %dma_wait3A_407 = tpu.memref_slice %arg6[%dma_wait3A_402, %dma_wait3A_404, %dma_wait3A_405, %dma_wait3A_406] : memref<2x4x200x64xf32, #tpu.memory_space<vmem>> -> memref<1x4x200x64xf32, #tpu.memory_space<vmem>>
      %dma_wait3A_408 = tpu.memref_squeeze %dma_wait3A_407 : memref<1x4x200x64xf32, #tpu.memory_space<vmem>> -> memref<4x200x64xf32, #tpu.memory_space<vmem>>
      %dma_wait3A_409 = arith.constant 0 : i32
      %dma_wait3A_410 = arith.constant 0 : i32
      %dma_wait3A_411 = tpu.memref_slice %dma_wait3A_408[%dma_wait3A_403, %dma_wait3A_409, %dma_wait3A_410] : memref<4x200x64xf32, #tpu.memory_space<vmem>> -> memref<1x200x64xf32, #tpu.memory_space<vmem>>
      %dma_wait3A_412 = tpu.memref_squeeze %dma_wait3A_411 : memref<1x200x64xf32, #tpu.memory_space<vmem>> -> memref<200x64xf32, #tpu.memory_space<vmem>>
      %dma_wait3A_413 = arith.constant 0 : i32
      %dma_wait3A_414 = tpu.memref_slice %arg5[%add3A_401, %dma_wait3A_413] : memref<128x200xi32, #tpu.memory_space<vmem>> -> memref<1x200xi32, #tpu.memory_space<vmem>>
      %dma_wait3A_415 = tpu.memref_squeeze %dma_wait3A_414 : memref<1x200xi32, #tpu.memory_space<vmem>> -> memref<200xi32, #tpu.memory_space<vmem>>
      %dma_wait3A_416 = arith.constant 0 : i32
      %dma_wait3A_417 = arith.constant 0 : i32
      %dma_wait3A_418 = tpu.memref_slice %arg3[%dma_wait3A_416, %dma_wait3A_417] : memref<1000000x64xf32, #tpu.memory_space<hbm>> -> memref<1000000x64xf32, #tpu.memory_space<hbm>>
      tpu.wait_indirect_dma semaphore(%arg7 : memref<!tpu.dma_semaphore, #tpu.memory_space<semaphore_mem>>) src(%dma_wait3A_418 : memref<1000000x64xf32, #tpu.memory_space<hbm>>) dst(%dma_wait3A_412 : memref<200x64xf32, #tpu.memory_space<vmem>>)
      %mul3A_419 = arith.constant 4 : i32
      %mul3A_420 = arith.muli %add3A_372, %mul3A_419 : i32
      %add3A_421 = arith.constant 2 : i32
      %add3A_422 = arith.addi %mul3A_420, %add3A_421 : i32
      %dma_wait3A_423 = arith.constant 1 : i32
      %dma_wait3A_424 = arith.constant 2 : i32
      %dma_wait3A_425 = arith.constant 0 : i32
      %dma_wait3A_426 = arith.constant 0 : i32
      %dma_wait3A_427 = arith.constant 0 : i32
      %dma_wait3A_428 = tpu.memref_slice %arg6[%dma_wait3A_423, %dma_wait3A_425, %dma_wait3A_426, %dma_wait3A_427] : memref<2x4x200x64xf32, #tpu.memory_space<vmem>> -> memref<1x4x200x64xf32, #tpu.memory_space<vmem>>
      %dma_wait3A_429 = tpu.memref_squeeze %dma_wait3A_428 : memref<1x4x200x64xf32, #tpu.memory_space<vmem>> -> memref<4x200x64xf32, #tpu.memory_space<vmem>>
      %dma_wait3A_430 = arith.constant 0 : i32
      %dma_wait3A_431 = arith.constant 0 : i32
      %dma_wait3A_432 = tpu.memref_slice %dma_wait3A_429[%dma_wait3A_424, %dma_wait3A_430, %dma_wait3A_431] : memref<4x200x64xf32, #tpu.memory_space<vmem>> -> memref<1x200x64xf32, #tpu.memory_space<vmem>>
      %dma_wait3A_433 = tpu.memref_squeeze %dma_wait3A_432 : memref<1x200x64xf32, #tpu.memory_space<vmem>> -> memref<200x64xf32, #tpu.memory_space<vmem>>
      %dma_wait3A_434 = arith.constant 0 : i32
      %dma_wait3A_435 = tpu.memref_slice %arg5[%add3A_422, %dma_wait3A_434] : memref<128x200xi32, #tpu.memory_space<vmem>> -> memref<1x200xi32, #tpu.memory_space<vmem>>
      %dma_wait3A_436 = tpu.memref_squeeze %dma_wait3A_435 : memref<1x200xi32, #tpu.memory_space<vmem>> -> memref<200xi32, #tpu.memory_space<vmem>>
      %dma_wait3A_437 = arith.constant 0 : i32
      %dma_wait3A_438 = arith.constant 0 : i32
      %dma_wait3A_439 = tpu.memref_slice %arg3[%dma_wait3A_437, %dma_wait3A_438] : memref<1000000x64xf32, #tpu.memory_space<hbm>> -> memref<1000000x64xf32, #tpu.memory_space<hbm>>
      tpu.wait_indirect_dma semaphore(%arg7 : memref<!tpu.dma_semaphore, #tpu.memory_space<semaphore_mem>>) src(%dma_wait3A_439 : memref<1000000x64xf32, #tpu.memory_space<hbm>>) dst(%dma_wait3A_433 : memref<200x64xf32, #tpu.memory_space<vmem>>)
      %mul3A_440 = arith.constant 4 : i32
      %mul3A_441 = arith.muli %add3A_372, %mul3A_440 : i32
      %add3A_442 = arith.constant 3 : i32
      %add3A_443 = arith.addi %mul3A_441, %add3A_442 : i32
      %dma_wait3A_444 = arith.constant 1 : i32
      %dma_wait3A_445 = arith.constant 3 : i32
      %dma_wait3A_446 = arith.constant 0 : i32
      %dma_wait3A_447 = arith.constant 0 : i32
      %dma_wait3A_448 = arith.constant 0 : i32
      %dma_wait3A_449 = tpu.memref_slice %arg6[%dma_wait3A_444, %dma_wait3A_446, %dma_wait3A_447, %dma_wait3A_448] : memref<2x4x200x64xf32, #tpu.memory_space<vmem>> -> memref<1x4x200x64xf32, #tpu.memory_space<vmem>>
      %dma_wait3A_450 = tpu.memref_squeeze %dma_wait3A_449 : memref<1x4x200x64xf32, #tpu.memory_space<vmem>> -> memref<4x200x64xf32, #tpu.memory_space<vmem>>
      %dma_wait3A_451 = arith.constant 0 : i32
      %dma_wait3A_452 = arith.constant 0 : i32
      %dma_wait3A_453 = tpu.memref_slice %dma_wait3A_450[%dma_wait3A_445, %dma_wait3A_451, %dma_wait3A_452] : memref<4x200x64xf32, #tpu.memory_space<vmem>> -> memref<1x200x64xf32, #tpu.memory_space<vmem>>
      %dma_wait3A_454 = tpu.memref_squeeze %dma_wait3A_453 : memref<1x200x64xf32, #tpu.memory_space<vmem>> -> memref<200x64xf32, #tpu.memory_space<vmem>>
      %dma_wait3A_455 = arith.constant 0 : i32
      %dma_wait3A_456 = tpu.memref_slice %arg5[%add3A_443, %dma_wait3A_455] : memref<128x200xi32, #tpu.memory_space<vmem>> -> memref<1x200xi32, #tpu.memory_space<vmem>>
      %dma_wait3A_457 = tpu.memref_squeeze %dma_wait3A_456 : memref<1x200xi32, #tpu.memory_space<vmem>> -> memref<200xi32, #tpu.memory_space<vmem>>
      %dma_wait3A_458 = arith.constant 0 : i32
      %dma_wait3A_459 = arith.constant 0 : i32
      %dma_wait3A_460 = tpu.memref_slice %arg3[%dma_wait3A_458, %dma_wait3A_459] : memref<1000000x64xf32, #tpu.memory_space<hbm>> -> memref<1000000x64xf32, #tpu.memory_space<hbm>>
      tpu.wait_indirect_dma semaphore(%arg7 : memref<!tpu.dma_semaphore, #tpu.memory_space<semaphore_mem>>) src(%dma_wait3A_460 : memref<1000000x64xf32, #tpu.memory_space<hbm>>) dst(%dma_wait3A_454 : memref<200x64xf32, #tpu.memory_space<vmem>>)
      %sub3A = arith.constant 1 : i32
      %sub3A_461 = arith.subi %add3A_372, %sub3A : i32
      %mul3A_462 = arith.constant 4 : i32
      %mul3A_463 = arith.muli %sub3A_461, %mul3A_462 : i32
      %add3A_464 = arith.addi %mul3A_2, %mul3A_463 : i32
      %dma_wait3A_465 = arith.constant 0 : i32
      %dma_wait3A_466 = arith.constant 0 : i32
      %dma_wait3A_467 = arith.constant 0 : i32
      %dma_wait3A_468 = arith.constant 0 : i32
      %dma_wait3A_469 = tpu.memref_slice %arg6[%dma_wait3A_465, %dma_wait3A_466, %dma_wait3A_467, %dma_wait3A_468] : memref<2x4x200x64xf32, #tpu.memory_space<vmem>> -> memref<1x4x200x64xf32, #tpu.memory_space<vmem>>
      %dma_wait3A_470 = tpu.memref_squeeze %dma_wait3A_469 : memref<1x4x200x64xf32, #tpu.memory_space<vmem>> -> memref<4x200x64xf32, #tpu.memory_space<vmem>>
      %dma_wait3A_471 = arith.constant 0 : i32
      %dma_wait3A_472 = arith.constant 0 : i32
      %dma_wait3A_473 = tpu.memref_slice %arg4[%add3A_464, %dma_wait3A_471, %dma_wait3A_472] : memref<4096x200x64xf32, #tpu.memory_space<hbm>> -> memref<4x200x64xf32, #tpu.memory_space<hbm>>
      %dma_wait3A_474 = arith.constant 0 : i32
      %dma_wait3A_475 = arith.constant 0 : i32
      %dma_wait3A_476 = tpu.memref_slice %arg4[%add3A_464, %dma_wait3A_474, %dma_wait3A_475] : memref<4096x200x64xf32, #tpu.memory_space<hbm>> -> memref<4x200x64xf32, #tpu.memory_space<hbm>>
      %dma_wait3A_477 = arith.constant 0 : i32
      %dma_wait3A_478 = arith.constant 0 : i32
      %dma_wait3A_479 = arith.constant 0 : i32
      %dma_wait3A_480 = tpu.memref_slice %arg6[%dma_wait3A_465, %dma_wait3A_477, %dma_wait3A_478, %dma_wait3A_479] : memref<2x4x200x64xf32, #tpu.memory_space<vmem>> -> memref<1x4x200x64xf32, #tpu.memory_space<vmem>>
      %dma_wait3A_481 = tpu.memref_squeeze %dma_wait3A_480 : memref<1x4x200x64xf32, #tpu.memory_space<vmem>> -> memref<4x200x64xf32, #tpu.memory_space<vmem>>
      tpu.wait_dma2 semaphore(%arg8 : memref<!tpu.dma_semaphore, #tpu.memory_space<semaphore_mem>>) src(%dma_wait3A_481 : memref<4x200x64xf32, #tpu.memory_space<vmem>>) dst(%dma_wait3A_476 : memref<4x200x64xf32, #tpu.memory_space<hbm>>)
      %add3A_482 = arith.constant 1 : i32
      %add3A_483 = arith.addi %add3A_372, %add3A_482 : i32
      %mul3A_484 = arith.constant 4 : i32
      %mul3A_485 = arith.muli %add3A_483, %mul3A_484 : i32
      %add3A_486 = arith.constant 0 : i32
      %add3A_487 = arith.addi %mul3A_485, %add3A_486 : i32
      %dma_start3A_488 = arith.constant 0 : i32
      %dma_start3A_489 = arith.constant 0 : i32
      %dma_start3A_490 = arith.constant 0 : i32
      %dma_start3A_491 = arith.constant 0 : i32
      %dma_start3A_492 = arith.constant 0 : i32
      %dma_start3A_493 = tpu.memref_slice %arg6[%dma_start3A_488, %dma_start3A_490, %dma_start3A_491, %dma_start3A_492] : memref<2x4x200x64xf32, #tpu.memory_space<vmem>> -> memref<1x4x200x64xf32, #tpu.memory_space<vmem>>
      %dma_start3A_494 = tpu.memref_squeeze %dma_start3A_493 : memref<1x4x200x64xf32, #tpu.memory_space<vmem>> -> memref<4x200x64xf32, #tpu.memory_space<vmem>>
      %dma_start3A_495 = arith.constant 0 : i32
      %dma_start3A_496 = arith.constant 0 : i32
      %dma_start3A_497 = tpu.memref_slice %dma_start3A_494[%dma_start3A_489, %dma_start3A_495, %dma_start3A_496] : memref<4x200x64xf32, #tpu.memory_space<vmem>> -> memref<1x200x64xf32, #tpu.memory_space<vmem>>
      %dma_start3A_498 = tpu.memref_squeeze %dma_start3A_497 : memref<1x200x64xf32, #tpu.memory_space<vmem>> -> memref<200x64xf32, #tpu.memory_space<vmem>>
      %dma_start3A_499 = arith.constant 0 : i32
      %dma_start3A_500 = tpu.memref_slice %arg5[%add3A_487, %dma_start3A_499] : memref<128x200xi32, #tpu.memory_space<vmem>> -> memref<1x200xi32, #tpu.memory_space<vmem>>
      %dma_start3A_501 = tpu.memref_squeeze %dma_start3A_500 : memref<1x200xi32, #tpu.memory_space<vmem>> -> memref<200xi32, #tpu.memory_space<vmem>>
      %dma_start3A_502 = arith.constant 0 : i32
      %dma_start3A_503 = arith.constant 0 : i32
      %dma_start3A_504 = tpu.memref_slice %arg3[%dma_start3A_502, %dma_start3A_503] : memref<1000000x64xf32, #tpu.memory_space<hbm>> -> memref<1000000x64xf32, #tpu.memory_space<hbm>>
      tpu.enqueue_indirect_dma source(%dma_start3A_504 : memref<1000000x64xf32, #tpu.memory_space<hbm>>) target(%dma_start3A_498 : memref<200x64xf32, #tpu.memory_space<vmem>>) offsets(%dma_start3A_501 : memref<200xi32, #tpu.memory_space<vmem>>) semaphore(%arg7 : memref<!tpu.dma_semaphore, #tpu.memory_space<semaphore_mem>>)
      %mul3A_505 = arith.constant 4 : i32
      %mul3A_506 = arith.muli %add3A_483, %mul3A_505 : i32
      %add3A_507 = arith.constant 1 : i32
      %add3A_508 = arith.addi %mul3A_506, %add3A_507 : i32
      %dma_start3A_509 = arith.constant 0 : i32
      %dma_start3A_510 = arith.constant 1 : i32
      %dma_start3A_511 = arith.constant 0 : i32
      %dma_start3A_512 = arith.constant 0 : i32
      %dma_start3A_513 = arith.constant 0 : i32
      %dma_start3A_514 = tpu.memref_slice %arg6[%dma_start3A_509, %dma_start3A_511, %dma_start3A_512, %dma_start3A_513] : memref<2x4x200x64xf32, #tpu.memory_space<vmem>> -> memref<1x4x200x64xf32, #tpu.memory_space<vmem>>
      %dma_start3A_515 = tpu.memref_squeeze %dma_start3A_514 : memref<1x4x200x64xf32, #tpu.memory_space<vmem>> -> memref<4x200x64xf32, #tpu.memory_space<vmem>>
      %dma_start3A_516 = arith.constant 0 : i32
      %dma_start3A_517 = arith.constant 0 : i32
      %dma_start3A_518 = tpu.memref_slice %dma_start3A_515[%dma_start3A_510, %dma_start3A_516, %dma_start3A_517] : memref<4x200x64xf32, #tpu.memory_space<vmem>> -> memref<1x200x64xf32, #tpu.memory_space<vmem>>
      %dma_start3A_519 = tpu.memref_squeeze %dma_start3A_518 : memref<1x200x64xf32, #tpu.memory_space<vmem>> -> memref<200x64xf32, #tpu.memory_space<vmem>>
      %dma_start3A_520 = arith.constant 0 : i32
      %dma_start3A_521 = tpu.memref_slice %arg5[%add3A_508, %dma_start3A_520] : memref<128x200xi32, #tpu.memory_space<vmem>> -> memref<1x200xi32, #tpu.memory_space<vmem>>
      %dma_start3A_522 = tpu.memref_squeeze %dma_start3A_521 : memref<1x200xi32, #tpu.memory_space<vmem>> -> memref<200xi32, #tpu.memory_space<vmem>>
      %dma_start3A_523 = arith.constant 0 : i32
      %dma_start3A_524 = arith.constant 0 : i32
      %dma_start3A_525 = tpu.memref_slice %arg3[%dma_start3A_523, %dma_start3A_524] : memref<1000000x64xf32, #tpu.memory_space<hbm>> -> memref<1000000x64xf32, #tpu.memory_space<hbm>>
      tpu.enqueue_indirect_dma source(%dma_start3A_525 : memref<1000000x64xf32, #tpu.memory_space<hbm>>) target(%dma_start3A_519 : memref<200x64xf32, #tpu.memory_space<vmem>>) offsets(%dma_start3A_522 : memref<200xi32, #tpu.memory_space<vmem>>) semaphore(%arg7 : memref<!tpu.dma_semaphore, #tpu.memory_space<semaphore_mem>>)
      %mul3A_526 = arith.constant 4 : i32
      %mul3A_527 = arith.muli %add3A_483, %mul3A_526 : i32
      %add3A_528 = arith.constant 2 : i32
      %add3A_529 = arith.addi %mul3A_527, %add3A_528 : i32
      %dma_start3A_530 = arith.constant 0 : i32
      %dma_start3A_531 = arith.constant 2 : i32
      %dma_start3A_532 = arith.constant 0 : i32
      %dma_start3A_533 = arith.constant 0 : i32
      %dma_start3A_534 = arith.constant 0 : i32
      %dma_start3A_535 = tpu.memref_slice %arg6[%dma_start3A_530, %dma_start3A_532, %dma_start3A_533, %dma_start3A_534] : memref<2x4x200x64xf32, #tpu.memory_space<vmem>> -> memref<1x4x200x64xf32, #tpu.memory_space<vmem>>
      %dma_start3A_536 = tpu.memref_squeeze %dma_start3A_535 : memref<1x4x200x64xf32, #tpu.memory_space<vmem>> -> memref<4x200x64xf32, #tpu.memory_space<vmem>>
      %dma_start3A_537 = arith.constant 0 : i32
      %dma_start3A_538 = arith.constant 0 : i32
      %dma_start3A_539 = tpu.memref_slice %dma_start3A_536[%dma_start3A_531, %dma_start3A_537, %dma_start3A_538] : memref<4x200x64xf32, #tpu.memory_space<vmem>> -> memref<1x200x64xf32, #tpu.memory_space<vmem>>
      %dma_start3A_540 = tpu.memref_squeeze %dma_start3A_539 : memref<1x200x64xf32, #tpu.memory_space<vmem>> -> memref<200x64xf32, #tpu.memory_space<vmem>>
      %dma_start3A_541 = arith.constant 0 : i32
      %dma_start3A_542 = tpu.memref_slice %arg5[%add3A_529, %dma_start3A_541] : memref<128x200xi32, #tpu.memory_space<vmem>> -> memref<1x200xi32, #tpu.memory_space<vmem>>
      %dma_start3A_543 = tpu.memref_squeeze %dma_start3A_542 : memref<1x200xi32, #tpu.memory_space<vmem>> -> memref<200xi32, #tpu.memory_space<vmem>>
      %dma_start3A_544 = arith.constant 0 : i32
      %dma_start3A_545 = arith.constant 0 : i32
      %dma_start3A_546 = tpu.memref_slice %arg3[%dma_start3A_544, %dma_start3A_545] : memref<1000000x64xf32, #tpu.memory_space<hbm>> -> memref<1000000x64xf32, #tpu.memory_space<hbm>>
      tpu.enqueue_indirect_dma source(%dma_start3A_546 : memref<1000000x64xf32, #tpu.memory_space<hbm>>) target(%dma_start3A_540 : memref<200x64xf32, #tpu.memory_space<vmem>>) offsets(%dma_start3A_543 : memref<200xi32, #tpu.memory_space<vmem>>) semaphore(%arg7 : memref<!tpu.dma_semaphore, #tpu.memory_space<semaphore_mem>>)
      %mul3A_547 = arith.constant 4 : i32
      %mul3A_548 = arith.muli %add3A_483, %mul3A_547 : i32
      %add3A_549 = arith.constant 3 : i32
      %add3A_550 = arith.addi %mul3A_548, %add3A_549 : i32
      %dma_start3A_551 = arith.constant 0 : i32
      %dma_start3A_552 = arith.constant 3 : i32
      %dma_start3A_553 = arith.constant 0 : i32
      %dma_start3A_554 = arith.constant 0 : i32
      %dma_start3A_555 = arith.constant 0 : i32
      %dma_start3A_556 = tpu.memref_slice %arg6[%dma_start3A_551, %dma_start3A_553, %dma_start3A_554, %dma_start3A_555] : memref<2x4x200x64xf32, #tpu.memory_space<vmem>> -> memref<1x4x200x64xf32, #tpu.memory_space<vmem>>
      %dma_start3A_557 = tpu.memref_squeeze %dma_start3A_556 : memref<1x4x200x64xf32, #tpu.memory_space<vmem>> -> memref<4x200x64xf32, #tpu.memory_space<vmem>>
      %dma_start3A_558 = arith.constant 0 : i32
      %dma_start3A_559 = arith.constant 0 : i32
      %dma_start3A_560 = tpu.memref_slice %dma_start3A_557[%dma_start3A_552, %dma_start3A_558, %dma_start3A_559] : memref<4x200x64xf32, #tpu.memory_space<vmem>> -> memref<1x200x64xf32, #tpu.memory_space<vmem>>
      %dma_start3A_561 = tpu.memref_squeeze %dma_start3A_560 : memref<1x200x64xf32, #tpu.memory_space<vmem>> -> memref<200x64xf32, #tpu.memory_space<vmem>>
      %dma_start3A_562 = arith.constant 0 : i32
      %dma_start3A_563 = tpu.memref_slice %arg5[%add3A_550, %dma_start3A_562] : memref<128x200xi32, #tpu.memory_space<vmem>> -> memref<1x200xi32, #tpu.memory_space<vmem>>
      %dma_start3A_564 = tpu.memref_squeeze %dma_start3A_563 : memref<1x200xi32, #tpu.memory_space<vmem>> -> memref<200xi32, #tpu.memory_space<vmem>>
      %dma_start3A_565 = arith.constant 0 : i32
      %dma_start3A_566 = arith.constant 0 : i32
      %dma_start3A_567 = tpu.memref_slice %arg3[%dma_start3A_565, %dma_start3A_566] : memref<1000000x64xf32, #tpu.memory_space<hbm>> -> memref<1000000x64xf32, #tpu.memory_space<hbm>>
      tpu.enqueue_indirect_dma source(%dma_start3A_567 : memref<1000000x64xf32, #tpu.memory_space<hbm>>) target(%dma_start3A_561 : memref<200x64xf32, #tpu.memory_space<vmem>>) offsets(%dma_start3A_564 : memref<200xi32, #tpu.memory_space<vmem>>) semaphore(%arg7 : memref<!tpu.dma_semaphore, #tpu.memory_space<semaphore_mem>>)
      %mul3A_568 = arith.constant 4 : i32
      %mul3A_569 = arith.muli %add3A_372, %mul3A_568 : i32
      %add3A_570 = arith.addi %mul3A_2, %mul3A_569 : i32
      %dma_start3A_571 = arith.constant 1 : i32
      %dma_start3A_572 = arith.constant 0 : i32
      %dma_start3A_573 = arith.constant 0 : i32
      %dma_start3A_574 = arith.constant 0 : i32
      %dma_start3A_575 = tpu.memref_slice %arg6[%dma_start3A_571, %dma_start3A_572, %dma_start3A_573, %dma_start3A_574] : memref<2x4x200x64xf32, #tpu.memory_space<vmem>> -> memref<1x4x200x64xf32, #tpu.memory_space<vmem>>
      %dma_start3A_576 = tpu.memref_squeeze %dma_start3A_575 : memref<1x4x200x64xf32, #tpu.memory_space<vmem>> -> memref<4x200x64xf32, #tpu.memory_space<vmem>>
      %dma_start3A_577 = arith.constant 0 : i32
      %dma_start3A_578 = arith.constant 0 : i32
      %dma_start3A_579 = tpu.memref_slice %arg4[%add3A_570, %dma_start3A_577, %dma_start3A_578] : memref<4096x200x64xf32, #tpu.memory_space<hbm>> -> memref<4x200x64xf32, #tpu.memory_space<hbm>>
      %dma_start3A_580 = arith.constant 0 : i32
      %dma_start3A_581 = arith.constant 0 : i32
      %dma_start3A_582 = tpu.memref_slice %arg4[%add3A_570, %dma_start3A_580, %dma_start3A_581] : memref<4096x200x64xf32, #tpu.memory_space<hbm>> -> memref<4x200x64xf32, #tpu.memory_space<hbm>>
      %dma_start3A_583 = arith.constant 0 : i32
      %dma_start3A_584 = arith.constant 0 : i32
      %dma_start3A_585 = arith.constant 0 : i32
      %dma_start3A_586 = tpu.memref_slice %arg6[%dma_start3A_571, %dma_start3A_583, %dma_start3A_584, %dma_start3A_585] : memref<2x4x200x64xf32, #tpu.memory_space<vmem>> -> memref<1x4x200x64xf32, #tpu.memory_space<vmem>>
      %dma_start3A_587 = tpu.memref_squeeze %dma_start3A_586 : memref<1x4x200x64xf32, #tpu.memory_space<vmem>> -> memref<4x200x64xf32, #tpu.memory_space<vmem>>
      tpu.enqueue_dma source(%dma_start3A_587 : memref<4x200x64xf32, #tpu.memory_space<vmem>>) target(%dma_start3A_582 : memref<4x200x64xf32, #tpu.memory_space<hbm>>) target_semaphore(%arg8 : memref<!tpu.dma_semaphore, #tpu.memory_space<semaphore_mem>>)
      %mul3A_588 = arith.constant 4 : i32
      %mul3A_589 = arith.muli %add3A_376, %mul3A_588 : i32
      %add3A_590 = arith.constant 0 : i32
      %add3A_591 = arith.addi %mul3A_589, %add3A_590 : i32
      %dma_wait3A_592 = arith.constant 0 : i32
      %dma_wait3A_593 = arith.constant 0 : i32
      %dma_wait3A_594 = arith.constant 0 : i32
      %dma_wait3A_595 = arith.constant 0 : i32
      %dma_wait3A_596 = arith.constant 0 : i32
      %dma_wait3A_597 = tpu.memref_slice %arg6[%dma_wait3A_592, %dma_wait3A_594, %dma_wait3A_595, %dma_wait3A_596] : memref<2x4x200x64xf32, #tpu.memory_space<vmem>> -> memref<1x4x200x64xf32, #tpu.memory_space<vmem>>
      %dma_wait3A_598 = tpu.memref_squeeze %dma_wait3A_597 : memref<1x4x200x64xf32, #tpu.memory_space<vmem>> -> memref<4x200x64xf32, #tpu.memory_space<vmem>>
      %dma_wait3A_599 = arith.constant 0 : i32
      %dma_wait3A_600 = arith.constant 0 : i32
      %dma_wait3A_601 = tpu.memref_slice %dma_wait3A_598[%dma_wait3A_593, %dma_wait3A_599, %dma_wait3A_600] : memref<4x200x64xf32, #tpu.memory_space<vmem>> -> memref<1x200x64xf32, #tpu.memory_space<vmem>>
      %dma_wait3A_602 = tpu.memref_squeeze %dma_wait3A_601 : memref<1x200x64xf32, #tpu.memory_space<vmem>> -> memref<200x64xf32, #tpu.memory_space<vmem>>
      %dma_wait3A_603 = arith.constant 0 : i32
      %dma_wait3A_604 = tpu.memref_slice %arg5[%add3A_591, %dma_wait3A_603] : memref<128x200xi32, #tpu.memory_space<vmem>> -> memref<1x200xi32, #tpu.memory_space<vmem>>
      %dma_wait3A_605 = tpu.memref_squeeze %dma_wait3A_604 : memref<1x200xi32, #tpu.memory_space<vmem>> -> memref<200xi32, #tpu.memory_space<vmem>>
      %dma_wait3A_606 = arith.constant 0 : i32
      %dma_wait3A_607 = arith.constant 0 : i32
      %dma_wait3A_608 = tpu.memref_slice %arg3[%dma_wait3A_606, %dma_wait3A_607] : memref<1000000x64xf32, #tpu.memory_space<hbm>> -> memref<1000000x64xf32, #tpu.memory_space<hbm>>
      tpu.wait_indirect_dma semaphore(%arg7 : memref<!tpu.dma_semaphore, #tpu.memory_space<semaphore_mem>>) src(%dma_wait3A_608 : memref<1000000x64xf32, #tpu.memory_space<hbm>>) dst(%dma_wait3A_602 : memref<200x64xf32, #tpu.memory_space<vmem>>)
      %mul3A_609 = arith.constant 4 : i32
      %mul3A_610 = arith.muli %add3A_376, %mul3A_609 : i32
      %add3A_611 = arith.constant 1 : i32
      %add3A_612 = arith.addi %mul3A_610, %add3A_611 : i32
      %dma_wait3A_613 = arith.constant 0 : i32
      %dma_wait3A_614 = arith.constant 1 : i32
      %dma_wait3A_615 = arith.constant 0 : i32
      %dma_wait3A_616 = arith.constant 0 : i32
      %dma_wait3A_617 = arith.constant 0 : i32
      %dma_wait3A_618 = tpu.memref_slice %arg6[%dma_wait3A_613, %dma_wait3A_615, %dma_wait3A_616, %dma_wait3A_617] : memref<2x4x200x64xf32, #tpu.memory_space<vmem>> -> memref<1x4x200x64xf32, #tpu.memory_space<vmem>>
      %dma_wait3A_619 = tpu.memref_squeeze %dma_wait3A_618 : memref<1x4x200x64xf32, #tpu.memory_space<vmem>> -> memref<4x200x64xf32, #tpu.memory_space<vmem>>
      %dma_wait3A_620 = arith.constant 0 : i32
      %dma_wait3A_621 = arith.constant 0 : i32
      %dma_wait3A_622 = tpu.memref_slice %dma_wait3A_619[%dma_wait3A_614, %dma_wait3A_620, %dma_wait3A_621] : memref<4x200x64xf32, #tpu.memory_space<vmem>> -> memref<1x200x64xf32, #tpu.memory_space<vmem>>
      %dma_wait3A_623 = tpu.memref_squeeze %dma_wait3A_622 : memref<1x200x64xf32, #tpu.memory_space<vmem>> -> memref<200x64xf32, #tpu.memory_space<vmem>>
      %dma_wait3A_624 = arith.constant 0 : i32
      %dma_wait3A_625 = tpu.memref_slice %arg5[%add3A_612, %dma_wait3A_624] : memref<128x200xi32, #tpu.memory_space<vmem>> -> memref<1x200xi32, #tpu.memory_space<vmem>>
      %dma_wait3A_626 = tpu.memref_squeeze %dma_wait3A_625 : memref<1x200xi32, #tpu.memory_space<vmem>> -> memref<200xi32, #tpu.memory_space<vmem>>
      %dma_wait3A_627 = arith.constant 0 : i32
      %dma_wait3A_628 = arith.constant 0 : i32
      %dma_wait3A_629 = tpu.memref_slice %arg3[%dma_wait3A_627, %dma_wait3A_628] : memref<1000000x64xf32, #tpu.memory_space<hbm>> -> memref<1000000x64xf32, #tpu.memory_space<hbm>>
      tpu.wait_indirect_dma semaphore(%arg7 : memref<!tpu.dma_semaphore, #tpu.memory_space<semaphore_mem>>) src(%dma_wait3A_629 : memref<1000000x64xf32, #tpu.memory_space<hbm>>) dst(%dma_wait3A_623 : memref<200x64xf32, #tpu.memory_space<vmem>>)
      %mul3A_630 = arith.constant 4 : i32
      %mul3A_631 = arith.muli %add3A_376, %mul3A_630 : i32
      %add3A_632 = arith.constant 2 : i32
      %add3A_633 = arith.addi %mul3A_631, %add3A_632 : i32
      %dma_wait3A_634 = arith.constant 0 : i32
      %dma_wait3A_635 = arith.constant 2 : i32
      %dma_wait3A_636 = arith.constant 0 : i32
      %dma_wait3A_637 = arith.constant 0 : i32
      %dma_wait3A_638 = arith.constant 0 : i32
      %dma_wait3A_639 = tpu.memref_slice %arg6[%dma_wait3A_634, %dma_wait3A_636, %dma_wait3A_637, %dma_wait3A_638] : memref<2x4x200x64xf32, #tpu.memory_space<vmem>> -> memref<1x4x200x64xf32, #tpu.memory_space<vmem>>
      %dma_wait3A_640 = tpu.memref_squeeze %dma_wait3A_639 : memref<1x4x200x64xf32, #tpu.memory_space<vmem>> -> memref<4x200x64xf32, #tpu.memory_space<vmem>>
      %dma_wait3A_641 = arith.constant 0 : i32
      %dma_wait3A_642 = arith.constant 0 : i32
      %dma_wait3A_643 = tpu.memref_slice %dma_wait3A_640[%dma_wait3A_635, %dma_wait3A_641, %dma_wait3A_642] : memref<4x200x64xf32, #tpu.memory_space<vmem>> -> memref<1x200x64xf32, #tpu.memory_space<vmem>>
      %dma_wait3A_644 = tpu.memref_squeeze %dma_wait3A_643 : memref<1x200x64xf32, #tpu.memory_space<vmem>> -> memref<200x64xf32, #tpu.memory_space<vmem>>
      %dma_wait3A_645 = arith.constant 0 : i32
      %dma_wait3A_646 = tpu.memref_slice %arg5[%add3A_633, %dma_wait3A_645] : memref<128x200xi32, #tpu.memory_space<vmem>> -> memref<1x200xi32, #tpu.memory_space<vmem>>
      %dma_wait3A_647 = tpu.memref_squeeze %dma_wait3A_646 : memref<1x200xi32, #tpu.memory_space<vmem>> -> memref<200xi32, #tpu.memory_space<vmem>>
      %dma_wait3A_648 = arith.constant 0 : i32
      %dma_wait3A_649 = arith.constant 0 : i32
      %dma_wait3A_650 = tpu.memref_slice %arg3[%dma_wait3A_648, %dma_wait3A_649] : memref<1000000x64xf32, #tpu.memory_space<hbm>> -> memref<1000000x64xf32, #tpu.memory_space<hbm>>
      tpu.wait_indirect_dma semaphore(%arg7 : memref<!tpu.dma_semaphore, #tpu.memory_space<semaphore_mem>>) src(%dma_wait3A_650 : memref<1000000x64xf32, #tpu.memory_space<hbm>>) dst(%dma_wait3A_644 : memref<200x64xf32, #tpu.memory_space<vmem>>)
      %mul3A_651 = arith.constant 4 : i32
      %mul3A_652 = arith.muli %add3A_376, %mul3A_651 : i32
      %add3A_653 = arith.constant 3 : i32
      %add3A_654 = arith.addi %mul3A_652, %add3A_653 : i32
      %dma_wait3A_655 = arith.constant 0 : i32
      %dma_wait3A_656 = arith.constant 3 : i32
      %dma_wait3A_657 = arith.constant 0 : i32
      %dma_wait3A_658 = arith.constant 0 : i32
      %dma_wait3A_659 = arith.constant 0 : i32
      %dma_wait3A_660 = tpu.memref_slice %arg6[%dma_wait3A_655, %dma_wait3A_657, %dma_wait3A_658, %dma_wait3A_659] : memref<2x4x200x64xf32, #tpu.memory_space<vmem>> -> memref<1x4x200x64xf32, #tpu.memory_space<vmem>>
      %dma_wait3A_661 = tpu.memref_squeeze %dma_wait3A_660 : memref<1x4x200x64xf32, #tpu.memory_space<vmem>> -> memref<4x200x64xf32, #tpu.memory_space<vmem>>
      %dma_wait3A_662 = arith.constant 0 : i32
      %dma_wait3A_663 = arith.constant 0 : i32
      %dma_wait3A_664 = tpu.memref_slice %dma_wait3A_661[%dma_wait3A_656, %dma_wait3A_662, %dma_wait3A_663] : memref<4x200x64xf32, #tpu.memory_space<vmem>> -> memref<1x200x64xf32, #tpu.memory_space<vmem>>
      %dma_wait3A_665 = tpu.memref_squeeze %dma_wait3A_664 : memref<1x200x64xf32, #tpu.memory_space<vmem>> -> memref<200x64xf32, #tpu.memory_space<vmem>>
      %dma_wait3A_666 = arith.constant 0 : i32
      %dma_wait3A_667 = tpu.memref_slice %arg5[%add3A_654, %dma_wait3A_666] : memref<128x200xi32, #tpu.memory_space<vmem>> -> memref<1x200xi32, #tpu.memory_space<vmem>>
      %dma_wait3A_668 = tpu.memref_squeeze %dma_wait3A_667 : memref<1x200xi32, #tpu.memory_space<vmem>> -> memref<200xi32, #tpu.memory_space<vmem>>
      %dma_wait3A_669 = arith.constant 0 : i32
      %dma_wait3A_670 = arith.constant 0 : i32
      %dma_wait3A_671 = tpu.memref_slice %arg3[%dma_wait3A_669, %dma_wait3A_670] : memref<1000000x64xf32, #tpu.memory_space<hbm>> -> memref<1000000x64xf32, #tpu.memory_space<hbm>>
      tpu.wait_indirect_dma semaphore(%arg7 : memref<!tpu.dma_semaphore, #tpu.memory_space<semaphore_mem>>) src(%dma_wait3A_671 : memref<1000000x64xf32, #tpu.memory_space<hbm>>) dst(%dma_wait3A_665 : memref<200x64xf32, #tpu.memory_space<vmem>>)
      %sub3A_672 = arith.constant 1 : i32
      %sub3A_673 = arith.subi %add3A_376, %sub3A_672 : i32
      %mul3A_674 = arith.constant 4 : i32
      %mul3A_675 = arith.muli %sub3A_673, %mul3A_674 : i32
      %add3A_676 = arith.addi %mul3A_2, %mul3A_675 : i32
      %dma_wait3A_677 = arith.constant 1 : i32
      %dma_wait3A_678 = arith.constant 0 : i32
      %dma_wait3A_679 = arith.constant 0 : i32
      %dma_wait3A_680 = arith.constant 0 : i32
      %dma_wait3A_681 = tpu.memref_slice %arg6[%dma_wait3A_677, %dma_wait3A_678, %dma_wait3A_679, %dma_wait3A_680] : memref<2x4x200x64xf32, #tpu.memory_space<vmem>> -> memref<1x4x200x64xf32, #tpu.memory_space<vmem>>
      %dma_wait3A_682 = tpu.memref_squeeze %dma_wait3A_681 : memref<1x4x200x64xf32, #tpu.memory_space<vmem>> -> memref<4x200x64xf32, #tpu.memory_space<vmem>>
      %dma_wait3A_683 = arith.constant 0 : i32
      %dma_wait3A_684 = arith.constant 0 : i32
      %dma_wait3A_685 = tpu.memref_slice %arg4[%add3A_676, %dma_wait3A_683, %dma_wait3A_684] : memref<4096x200x64xf32, #tpu.memory_space<hbm>> -> memref<4x200x64xf32, #tpu.memory_space<hbm>>
      %dma_wait3A_686 = arith.constant 0 : i32
      %dma_wait3A_687 = arith.constant 0 : i32
      %dma_wait3A_688 = tpu.memref_slice %arg4[%add3A_676, %dma_wait3A_686, %dma_wait3A_687] : memref<4096x200x64xf32, #tpu.memory_space<hbm>> -> memref<4x200x64xf32, #tpu.memory_space<hbm>>
      %dma_wait3A_689 = arith.constant 0 : i32
      %dma_wait3A_690 = arith.constant 0 : i32
      %dma_wait3A_691 = arith.constant 0 : i32
      %dma_wait3A_692 = tpu.memref_slice %arg6[%dma_wait3A_677, %dma_wait3A_689, %dma_wait3A_690, %dma_wait3A_691] : memref<2x4x200x64xf32, #tpu.memory_space<vmem>> -> memref<1x4x200x64xf32, #tpu.memory_space<vmem>>
      %dma_wait3A_693 = tpu.memref_squeeze %dma_wait3A_692 : memref<1x4x200x64xf32, #tpu.memory_space<vmem>> -> memref<4x200x64xf32, #tpu.memory_space<vmem>>
      tpu.wait_dma2 semaphore(%arg8 : memref<!tpu.dma_semaphore, #tpu.memory_space<semaphore_mem>>) src(%dma_wait3A_693 : memref<4x200x64xf32, #tpu.memory_space<vmem>>) dst(%dma_wait3A_688 : memref<4x200x64xf32, #tpu.memory_space<hbm>>)
      %add3A_694 = arith.constant 1 : i32
      %add3A_695 = arith.addi %add3A_376, %add3A_694 : i32
      %mul3A_696 = arith.constant 4 : i32
      %mul3A_697 = arith.muli %add3A_695, %mul3A_696 : i32
      %add3A_698 = arith.constant 0 : i32
      %add3A_699 = arith.addi %mul3A_697, %add3A_698 : i32
      %dma_start3A_700 = arith.constant 1 : i32
      %dma_start3A_701 = arith.constant 0 : i32
      %dma_start3A_702 = arith.constant 0 : i32
      %dma_start3A_703 = arith.constant 0 : i32
      %dma_start3A_704 = arith.constant 0 : i32
      %dma_start3A_705 = tpu.memref_slice %arg6[%dma_start3A_700, %dma_start3A_702, %dma_start3A_703, %dma_start3A_704] : memref<2x4x200x64xf32, #tpu.memory_space<vmem>> -> memref<1x4x200x64xf32, #tpu.memory_space<vmem>>
      %dma_start3A_706 = tpu.memref_squeeze %dma_start3A_705 : memref<1x4x200x64xf32, #tpu.memory_space<vmem>> -> memref<4x200x64xf32, #tpu.memory_space<vmem>>
      %dma_start3A_707 = arith.constant 0 : i32
      %dma_start3A_708 = arith.constant 0 : i32
      %dma_start3A_709 = tpu.memref_slice %dma_start3A_706[%dma_start3A_701, %dma_start3A_707, %dma_start3A_708] : memref<4x200x64xf32, #tpu.memory_space<vmem>> -> memref<1x200x64xf32, #tpu.memory_space<vmem>>
      %dma_start3A_710 = tpu.memref_squeeze %dma_start3A_709 : memref<1x200x64xf32, #tpu.memory_space<vmem>> -> memref<200x64xf32, #tpu.memory_space<vmem>>
      %dma_start3A_711 = arith.constant 0 : i32
      %dma_start3A_712 = tpu.memref_slice %arg5[%add3A_699, %dma_start3A_711] : memref<128x200xi32, #tpu.memory_space<vmem>> -> memref<1x200xi32, #tpu.memory_space<vmem>>
      %dma_start3A_713 = tpu.memref_squeeze %dma_start3A_712 : memref<1x200xi32, #tpu.memory_space<vmem>> -> memref<200xi32, #tpu.memory_space<vmem>>
      %dma_start3A_714 = arith.constant 0 : i32
      %dma_start3A_715 = arith.constant 0 : i32
      %dma_start3A_716 = tpu.memref_slice %arg3[%dma_start3A_714, %dma_start3A_715] : memref<1000000x64xf32, #tpu.memory_space<hbm>> -> memref<1000000x64xf32, #tpu.memory_space<hbm>>
      tpu.enqueue_indirect_dma source(%dma_start3A_716 : memref<1000000x64xf32, #tpu.memory_space<hbm>>) target(%dma_start3A_710 : memref<200x64xf32, #tpu.memory_space<vmem>>) offsets(%dma_start3A_713 : memref<200xi32, #tpu.memory_space<vmem>>) semaphore(%arg7 : memref<!tpu.dma_semaphore, #tpu.memory_space<semaphore_mem>>)
      %mul3A_717 = arith.constant 4 : i32
      %mul3A_718 = arith.muli %add3A_695, %mul3A_717 : i32
      %add3A_719 = arith.constant 1 : i32
      %add3A_720 = arith.addi %mul3A_718, %add3A_719 : i32
      %dma_start3A_721 = arith.constant 1 : i32
      %dma_start3A_722 = arith.constant 1 : i32
      %dma_start3A_723 = arith.constant 0 : i32
      %dma_start3A_724 = arith.constant 0 : i32
      %dma_start3A_725 = arith.constant 0 : i32
      %dma_start3A_726 = tpu.memref_slice %arg6[%dma_start3A_721, %dma_start3A_723, %dma_start3A_724, %dma_start3A_725] : memref<2x4x200x64xf32, #tpu.memory_space<vmem>> -> memref<1x4x200x64xf32, #tpu.memory_space<vmem>>
      %dma_start3A_727 = tpu.memref_squeeze %dma_start3A_726 : memref<1x4x200x64xf32, #tpu.memory_space<vmem>> -> memref<4x200x64xf32, #tpu.memory_space<vmem>>
      %dma_start3A_728 = arith.constant 0 : i32
      %dma_start3A_729 = arith.constant 0 : i32
      %dma_start3A_730 = tpu.memref_slice %dma_start3A_727[%dma_start3A_722, %dma_start3A_728, %dma_start3A_729] : memref<4x200x64xf32, #tpu.memory_space<vmem>> -> memref<1x200x64xf32, #tpu.memory_space<vmem>>
      %dma_start3A_731 = tpu.memref_squeeze %dma_start3A_730 : memref<1x200x64xf32, #tpu.memory_space<vmem>> -> memref<200x64xf32, #tpu.memory_space<vmem>>
      %dma_start3A_732 = arith.constant 0 : i32
      %dma_start3A_733 = tpu.memref_slice %arg5[%add3A_720, %dma_start3A_732] : memref<128x200xi32, #tpu.memory_space<vmem>> -> memref<1x200xi32, #tpu.memory_space<vmem>>
      %dma_start3A_734 = tpu.memref_squeeze %dma_start3A_733 : memref<1x200xi32, #tpu.memory_space<vmem>> -> memref<200xi32, #tpu.memory_space<vmem>>
      %dma_start3A_735 = arith.constant 0 : i32
      %dma_start3A_736 = arith.constant 0 : i32
      %dma_start3A_737 = tpu.memref_slice %arg3[%dma_start3A_735, %dma_start3A_736] : memref<1000000x64xf32, #tpu.memory_space<hbm>> -> memref<1000000x64xf32, #tpu.memory_space<hbm>>
      tpu.enqueue_indirect_dma source(%dma_start3A_737 : memref<1000000x64xf32, #tpu.memory_space<hbm>>) target(%dma_start3A_731 : memref<200x64xf32, #tpu.memory_space<vmem>>) offsets(%dma_start3A_734 : memref<200xi32, #tpu.memory_space<vmem>>) semaphore(%arg7 : memref<!tpu.dma_semaphore, #tpu.memory_space<semaphore_mem>>)
      %mul3A_738 = arith.constant 4 : i32
      %mul3A_739 = arith.muli %add3A_695, %mul3A_738 : i32
      %add3A_740 = arith.constant 2 : i32
      %add3A_741 = arith.addi %mul3A_739, %add3A_740 : i32
      %dma_start3A_742 = arith.constant 1 : i32
      %dma_start3A_743 = arith.constant 2 : i32
      %dma_start3A_744 = arith.constant 0 : i32
      %dma_start3A_745 = arith.constant 0 : i32
      %dma_start3A_746 = arith.constant 0 : i32
      %dma_start3A_747 = tpu.memref_slice %arg6[%dma_start3A_742, %dma_start3A_744, %dma_start3A_745, %dma_start3A_746] : memref<2x4x200x64xf32, #tpu.memory_space<vmem>> -> memref<1x4x200x64xf32, #tpu.memory_space<vmem>>
      %dma_start3A_748 = tpu.memref_squeeze %dma_start3A_747 : memref<1x4x200x64xf32, #tpu.memory_space<vmem>> -> memref<4x200x64xf32, #tpu.memory_space<vmem>>
      %dma_start3A_749 = arith.constant 0 : i32
      %dma_start3A_750 = arith.constant 0 : i32
      %dma_start3A_751 = tpu.memref_slice %dma_start3A_748[%dma_start3A_743, %dma_start3A_749, %dma_start3A_750] : memref<4x200x64xf32, #tpu.memory_space<vmem>> -> memref<1x200x64xf32, #tpu.memory_space<vmem>>
      %dma_start3A_752 = tpu.memref_squeeze %dma_start3A_751 : memref<1x200x64xf32, #tpu.memory_space<vmem>> -> memref<200x64xf32, #tpu.memory_space<vmem>>
      %dma_start3A_753 = arith.constant 0 : i32
      %dma_start3A_754 = tpu.memref_slice %arg5[%add3A_741, %dma_start3A_753] : memref<128x200xi32, #tpu.memory_space<vmem>> -> memref<1x200xi32, #tpu.memory_space<vmem>>
      %dma_start3A_755 = tpu.memref_squeeze %dma_start3A_754 : memref<1x200xi32, #tpu.memory_space<vmem>> -> memref<200xi32, #tpu.memory_space<vmem>>
      %dma_start3A_756 = arith.constant 0 : i32
      %dma_start3A_757 = arith.constant 0 : i32
      %dma_start3A_758 = tpu.memref_slice %arg3[%dma_start3A_756, %dma_start3A_757] : memref<1000000x64xf32, #tpu.memory_space<hbm>> -> memref<1000000x64xf32, #tpu.memory_space<hbm>>
      tpu.enqueue_indirect_dma source(%dma_start3A_758 : memref<1000000x64xf32, #tpu.memory_space<hbm>>) target(%dma_start3A_752 : memref<200x64xf32, #tpu.memory_space<vmem>>) offsets(%dma_start3A_755 : memref<200xi32, #tpu.memory_space<vmem>>) semaphore(%arg7 : memref<!tpu.dma_semaphore, #tpu.memory_space<semaphore_mem>>)
      %mul3A_759 = arith.constant 4 : i32
      %mul3A_760 = arith.muli %add3A_695, %mul3A_759 : i32
      %add3A_761 = arith.constant 3 : i32
      %add3A_762 = arith.addi %mul3A_760, %add3A_761 : i32
      %dma_start3A_763 = arith.constant 1 : i32
      %dma_start3A_764 = arith.constant 3 : i32
      %dma_start3A_765 = arith.constant 0 : i32
      %dma_start3A_766 = arith.constant 0 : i32
      %dma_start3A_767 = arith.constant 0 : i32
      %dma_start3A_768 = tpu.memref_slice %arg6[%dma_start3A_763, %dma_start3A_765, %dma_start3A_766, %dma_start3A_767] : memref<2x4x200x64xf32, #tpu.memory_space<vmem>> -> memref<1x4x200x64xf32, #tpu.memory_space<vmem>>
      %dma_start3A_769 = tpu.memref_squeeze %dma_start3A_768 : memref<1x4x200x64xf32, #tpu.memory_space<vmem>> -> memref<4x200x64xf32, #tpu.memory_space<vmem>>
      %dma_start3A_770 = arith.constant 0 : i32
      %dma_start3A_771 = arith.constant 0 : i32
      %dma_start3A_772 = tpu.memref_slice %dma_start3A_769[%dma_start3A_764, %dma_start3A_770, %dma_start3A_771] : memref<4x200x64xf32, #tpu.memory_space<vmem>> -> memref<1x200x64xf32, #tpu.memory_space<vmem>>
      %dma_start3A_773 = tpu.memref_squeeze %dma_start3A_772 : memref<1x200x64xf32, #tpu.memory_space<vmem>> -> memref<200x64xf32, #tpu.memory_space<vmem>>
      %dma_start3A_774 = arith.constant 0 : i32
      %dma_start3A_775 = tpu.memref_slice %arg5[%add3A_762, %dma_start3A_774] : memref<128x200xi32, #tpu.memory_space<vmem>> -> memref<1x200xi32, #tpu.memory_space<vmem>>
      %dma_start3A_776 = tpu.memref_squeeze %dma_start3A_775 : memref<1x200xi32, #tpu.memory_space<vmem>> -> memref<200xi32, #tpu.memory_space<vmem>>
      %dma_start3A_777 = arith.constant 0 : i32
      %dma_start3A_778 = arith.constant 0 : i32
      %dma_start3A_779 = tpu.memref_slice %arg3[%dma_start3A_777, %dma_start3A_778] : memref<1000000x64xf32, #tpu.memory_space<hbm>> -> memref<1000000x64xf32, #tpu.memory_space<hbm>>
      tpu.enqueue_indirect_dma source(%dma_start3A_779 : memref<1000000x64xf32, #tpu.memory_space<hbm>>) target(%dma_start3A_773 : memref<200x64xf32, #tpu.memory_space<vmem>>) offsets(%dma_start3A_776 : memref<200xi32, #tpu.memory_space<vmem>>) semaphore(%arg7 : memref<!tpu.dma_semaphore, #tpu.memory_space<semaphore_mem>>)
      %mul3A_780 = arith.constant 4 : i32
      %mul3A_781 = arith.muli %add3A_376, %mul3A_780 : i32
      %add3A_782 = arith.addi %mul3A_2, %mul3A_781 : i32
      %dma_start3A_783 = arith.constant 0 : i32
      %dma_start3A_784 = arith.constant 0 : i32
      %dma_start3A_785 = arith.constant 0 : i32
      %dma_start3A_786 = arith.constant 0 : i32
      %dma_start3A_787 = tpu.memref_slice %arg6[%dma_start3A_783, %dma_start3A_784, %dma_start3A_785, %dma_start3A_786] : memref<2x4x200x64xf32, #tpu.memory_space<vmem>> -> memref<1x4x200x64xf32, #tpu.memory_space<vmem>>
      %dma_start3A_788 = tpu.memref_squeeze %dma_start3A_787 : memref<1x4x200x64xf32, #tpu.memory_space<vmem>> -> memref<4x200x64xf32, #tpu.memory_space<vmem>>
      %dma_start3A_789 = arith.constant 0 : i32
      %dma_start3A_790 = arith.constant 0 : i32
      %dma_start3A_791 = tpu.memref_slice %arg4[%add3A_782, %dma_start3A_789, %dma_start3A_790] : memref<4096x200x64xf32, #tpu.memory_space<hbm>> -> memref<4x200x64xf32, #tpu.memory_space<hbm>>
      %dma_start3A_792 = arith.constant 0 : i32
      %dma_start3A_793 = arith.constant 0 : i32
      %dma_start3A_794 = tpu.memref_slice %arg4[%add3A_782, %dma_start3A_792, %dma_start3A_793] : memref<4096x200x64xf32, #tpu.memory_space<hbm>> -> memref<4x200x64xf32, #tpu.memory_space<hbm>>
      %dma_start3A_795 = arith.constant 0 : i32
      %dma_start3A_796 = arith.constant 0 : i32
      %dma_start3A_797 = arith.constant 0 : i32
      %dma_start3A_798 = tpu.memref_slice %arg6[%dma_start3A_783, %dma_start3A_795, %dma_start3A_796, %dma_start3A_797] : memref<2x4x200x64xf32, #tpu.memory_space<vmem>> -> memref<1x4x200x64xf32, #tpu.memory_space<vmem>>
      %dma_start3A_799 = tpu.memref_squeeze %dma_start3A_798 : memref<1x4x200x64xf32, #tpu.memory_space<vmem>> -> memref<4x200x64xf32, #tpu.memory_space<vmem>>
      tpu.enqueue_dma source(%dma_start3A_799 : memref<4x200x64xf32, #tpu.memory_space<vmem>>) target(%dma_start3A_794 : memref<4x200x64xf32, #tpu.memory_space<hbm>>) target_semaphore(%arg8 : memref<!tpu.dma_semaphore, #tpu.memory_space<semaphore_mem>>)
    }
    %scan3A_240 = arith.constant 15 : i32
    %dma_wait3A_241 = arith.constant 124 : i32
    %dma_wait3A_242 = arith.constant 1 : i32
    %dma_wait3A_243 = arith.constant 0 : i32
    %dma_wait3A_244 = arith.constant 0 : i32
    %dma_wait3A_245 = arith.constant 0 : i32
    %dma_wait3A_246 = arith.constant 0 : i32
    %dma_wait3A_247 = tpu.memref_slice %arg6[%dma_wait3A_242, %dma_wait3A_244, %dma_wait3A_245, %dma_wait3A_246] : memref<2x4x200x64xf32, #tpu.memory_space<vmem>> -> memref<1x4x200x64xf32, #tpu.memory_space<vmem>>
    %dma_wait3A_248 = tpu.memref_squeeze %dma_wait3A_247 : memref<1x4x200x64xf32, #tpu.memory_space<vmem>> -> memref<4x200x64xf32, #tpu.memory_space<vmem>>
    %dma_wait3A_249 = arith.constant 0 : i32
    %dma_wait3A_250 = arith.constant 0 : i32
    %dma_wait3A_251 = tpu.memref_slice %dma_wait3A_248[%dma_wait3A_243, %dma_wait3A_249, %dma_wait3A_250] : memref<4x200x64xf32, #tpu.memory_space<vmem>> -> memref<1x200x64xf32, #tpu.memory_space<vmem>>
    %dma_wait3A_252 = tpu.memref_squeeze %dma_wait3A_251 : memref<1x200x64xf32, #tpu.memory_space<vmem>> -> memref<200x64xf32, #tpu.memory_space<vmem>>
    %dma_wait3A_253 = arith.constant 0 : i32
    %dma_wait3A_254 = tpu.memref_slice %arg5[%dma_wait3A_241, %dma_wait3A_253] : memref<128x200xi32, #tpu.memory_space<vmem>> -> memref<1x200xi32, #tpu.memory_space<vmem>>
    %dma_wait3A_255 = tpu.memref_squeeze %dma_wait3A_254 : memref<1x200xi32, #tpu.memory_space<vmem>> -> memref<200xi32, #tpu.memory_space<vmem>>
    %dma_wait3A_256 = arith.constant 0 : i32
    %dma_wait3A_257 = arith.constant 0 : i32
    %dma_wait3A_258 = tpu.memref_slice %arg3[%dma_wait3A_256, %dma_wait3A_257] : memref<1000000x64xf32, #tpu.memory_space<hbm>> -> memref<1000000x64xf32, #tpu.memory_space<hbm>>
    tpu.wait_indirect_dma semaphore(%arg7 : memref<!tpu.dma_semaphore, #tpu.memory_space<semaphore_mem>>) src(%dma_wait3A_258 : memref<1000000x64xf32, #tpu.memory_space<hbm>>) dst(%dma_wait3A_252 : memref<200x64xf32, #tpu.memory_space<vmem>>)
    %dma_wait3A_259 = arith.constant 125 : i32
    %dma_wait3A_260 = arith.constant 1 : i32
    %dma_wait3A_261 = arith.constant 1 : i32
    %dma_wait3A_262 = arith.constant 0 : i32
    %dma_wait3A_263 = arith.constant 0 : i32
    %dma_wait3A_264 = arith.constant 0 : i32
    %dma_wait3A_265 = tpu.memref_slice %arg6[%dma_wait3A_260, %dma_wait3A_262, %dma_wait3A_263, %dma_wait3A_264] : memref<2x4x200x64xf32, #tpu.memory_space<vmem>> -> memref<1x4x200x64xf32, #tpu.memory_space<vmem>>
    %dma_wait3A_266 = tpu.memref_squeeze %dma_wait3A_265 : memref<1x4x200x64xf32, #tpu.memory_space<vmem>> -> memref<4x200x64xf32, #tpu.memory_space<vmem>>
    %dma_wait3A_267 = arith.constant 0 : i32
    %dma_wait3A_268 = arith.constant 0 : i32
    %dma_wait3A_269 = tpu.memref_slice %dma_wait3A_266[%dma_wait3A_261, %dma_wait3A_267, %dma_wait3A_268] : memref<4x200x64xf32, #tpu.memory_space<vmem>> -> memref<1x200x64xf32, #tpu.memory_space<vmem>>
    %dma_wait3A_270 = tpu.memref_squeeze %dma_wait3A_269 : memref<1x200x64xf32, #tpu.memory_space<vmem>> -> memref<200x64xf32, #tpu.memory_space<vmem>>
    %dma_wait3A_271 = arith.constant 0 : i32
    %dma_wait3A_272 = tpu.memref_slice %arg5[%dma_wait3A_259, %dma_wait3A_271] : memref<128x200xi32, #tpu.memory_space<vmem>> -> memref<1x200xi32, #tpu.memory_space<vmem>>
    %dma_wait3A_273 = tpu.memref_squeeze %dma_wait3A_272 : memref<1x200xi32, #tpu.memory_space<vmem>> -> memref<200xi32, #tpu.memory_space<vmem>>
    %dma_wait3A_274 = arith.constant 0 : i32
    %dma_wait3A_275 = arith.constant 0 : i32
    %dma_wait3A_276 = tpu.memref_slice %arg3[%dma_wait3A_274, %dma_wait3A_275] : memref<1000000x64xf32, #tpu.memory_space<hbm>> -> memref<1000000x64xf32, #tpu.memory_space<hbm>>
    tpu.wait_indirect_dma semaphore(%arg7 : memref<!tpu.dma_semaphore, #tpu.memory_space<semaphore_mem>>) src(%dma_wait3A_276 : memref<1000000x64xf32, #tpu.memory_space<hbm>>) dst(%dma_wait3A_270 : memref<200x64xf32, #tpu.memory_space<vmem>>)
    %dma_wait3A_277 = arith.constant 126 : i32
    %dma_wait3A_278 = arith.constant 1 : i32
    %dma_wait3A_279 = arith.constant 2 : i32
    %dma_wait3A_280 = arith.constant 0 : i32
    %dma_wait3A_281 = arith.constant 0 : i32
    %dma_wait3A_282 = arith.constant 0 : i32
    %dma_wait3A_283 = tpu.memref_slice %arg6[%dma_wait3A_278, %dma_wait3A_280, %dma_wait3A_281, %dma_wait3A_282] : memref<2x4x200x64xf32, #tpu.memory_space<vmem>> -> memref<1x4x200x64xf32, #tpu.memory_space<vmem>>
    %dma_wait3A_284 = tpu.memref_squeeze %dma_wait3A_283 : memref<1x4x200x64xf32, #tpu.memory_space<vmem>> -> memref<4x200x64xf32, #tpu.memory_space<vmem>>
    %dma_wait3A_285 = arith.constant 0 : i32
    %dma_wait3A_286 = arith.constant 0 : i32
    %dma_wait3A_287 = tpu.memref_slice %dma_wait3A_284[%dma_wait3A_279, %dma_wait3A_285, %dma_wait3A_286] : memref<4x200x64xf32, #tpu.memory_space<vmem>> -> memref<1x200x64xf32, #tpu.memory_space<vmem>>
    %dma_wait3A_288 = tpu.memref_squeeze %dma_wait3A_287 : memref<1x200x64xf32, #tpu.memory_space<vmem>> -> memref<200x64xf32, #tpu.memory_space<vmem>>
    %dma_wait3A_289 = arith.constant 0 : i32
    %dma_wait3A_290 = tpu.memref_slice %arg5[%dma_wait3A_277, %dma_wait3A_289] : memref<128x200xi32, #tpu.memory_space<vmem>> -> memref<1x200xi32, #tpu.memory_space<vmem>>
    %dma_wait3A_291 = tpu.memref_squeeze %dma_wait3A_290 : memref<1x200xi32, #tpu.memory_space<vmem>> -> memref<200xi32, #tpu.memory_space<vmem>>
    %dma_wait3A_292 = arith.constant 0 : i32
    %dma_wait3A_293 = arith.constant 0 : i32
    %dma_wait3A_294 = tpu.memref_slice %arg3[%dma_wait3A_292, %dma_wait3A_293] : memref<1000000x64xf32, #tpu.memory_space<hbm>> -> memref<1000000x64xf32, #tpu.memory_space<hbm>>
    tpu.wait_indirect_dma semaphore(%arg7 : memref<!tpu.dma_semaphore, #tpu.memory_space<semaphore_mem>>) src(%dma_wait3A_294 : memref<1000000x64xf32, #tpu.memory_space<hbm>>) dst(%dma_wait3A_288 : memref<200x64xf32, #tpu.memory_space<vmem>>)
    %dma_wait3A_295 = arith.constant 127 : i32
    %dma_wait3A_296 = arith.constant 1 : i32
    %dma_wait3A_297 = arith.constant 3 : i32
    %dma_wait3A_298 = arith.constant 0 : i32
    %dma_wait3A_299 = arith.constant 0 : i32
    %dma_wait3A_300 = arith.constant 0 : i32
    %dma_wait3A_301 = tpu.memref_slice %arg6[%dma_wait3A_296, %dma_wait3A_298, %dma_wait3A_299, %dma_wait3A_300] : memref<2x4x200x64xf32, #tpu.memory_space<vmem>> -> memref<1x4x200x64xf32, #tpu.memory_space<vmem>>
    %dma_wait3A_302 = tpu.memref_squeeze %dma_wait3A_301 : memref<1x4x200x64xf32, #tpu.memory_space<vmem>> -> memref<4x200x64xf32, #tpu.memory_space<vmem>>
    %dma_wait3A_303 = arith.constant 0 : i32
    %dma_wait3A_304 = arith.constant 0 : i32
    %dma_wait3A_305 = tpu.memref_slice %dma_wait3A_302[%dma_wait3A_297, %dma_wait3A_303, %dma_wait3A_304] : memref<4x200x64xf32, #tpu.memory_space<vmem>> -> memref<1x200x64xf32, #tpu.memory_space<vmem>>
    %dma_wait3A_306 = tpu.memref_squeeze %dma_wait3A_305 : memref<1x200x64xf32, #tpu.memory_space<vmem>> -> memref<200x64xf32, #tpu.memory_space<vmem>>
    %dma_wait3A_307 = arith.constant 0 : i32
    %dma_wait3A_308 = tpu.memref_slice %arg5[%dma_wait3A_295, %dma_wait3A_307] : memref<128x200xi32, #tpu.memory_space<vmem>> -> memref<1x200xi32, #tpu.memory_space<vmem>>
    %dma_wait3A_309 = tpu.memref_squeeze %dma_wait3A_308 : memref<1x200xi32, #tpu.memory_space<vmem>> -> memref<200xi32, #tpu.memory_space<vmem>>
    %dma_wait3A_310 = arith.constant 0 : i32
    %dma_wait3A_311 = arith.constant 0 : i32
    %dma_wait3A_312 = tpu.memref_slice %arg3[%dma_wait3A_310, %dma_wait3A_311] : memref<1000000x64xf32, #tpu.memory_space<hbm>> -> memref<1000000x64xf32, #tpu.memory_space<hbm>>
    tpu.wait_indirect_dma semaphore(%arg7 : memref<!tpu.dma_semaphore, #tpu.memory_space<semaphore_mem>>) src(%dma_wait3A_312 : memref<1000000x64xf32, #tpu.memory_space<hbm>>) dst(%dma_wait3A_306 : memref<200x64xf32, #tpu.memory_space<vmem>>)
    %add3A_313 = arith.constant 120 : i32
    %add3A_314 = arith.addi %mul3A_2, %add3A_313 : i32
    %dma_wait3A_315 = arith.constant 0 : i32
    %dma_wait3A_316 = arith.constant 0 : i32
    %dma_wait3A_317 = arith.constant 0 : i32
    %dma_wait3A_318 = arith.constant 0 : i32
    %dma_wait3A_319 = tpu.memref_slice %arg6[%dma_wait3A_315, %dma_wait3A_316, %dma_wait3A_317, %dma_wait3A_318] : memref<2x4x200x64xf32, #tpu.memory_space<vmem>> -> memref<1x4x200x64xf32, #tpu.memory_space<vmem>>
    %dma_wait3A_320 = tpu.memref_squeeze %dma_wait3A_319 : memref<1x4x200x64xf32, #tpu.memory_space<vmem>> -> memref<4x200x64xf32, #tpu.memory_space<vmem>>
    %dma_wait3A_321 = arith.constant 0 : i32
    %dma_wait3A_322 = arith.constant 0 : i32
    %dma_wait3A_323 = tpu.memref_slice %arg4[%add3A_314, %dma_wait3A_321, %dma_wait3A_322] : memref<4096x200x64xf32, #tpu.memory_space<hbm>> -> memref<4x200x64xf32, #tpu.memory_space<hbm>>
    %dma_wait3A_324 = arith.constant 0 : i32
    %dma_wait3A_325 = arith.constant 0 : i32
    %dma_wait3A_326 = tpu.memref_slice %arg4[%add3A_314, %dma_wait3A_324, %dma_wait3A_325] : memref<4096x200x64xf32, #tpu.memory_space<hbm>> -> memref<4x200x64xf32, #tpu.memory_space<hbm>>
    %dma_wait3A_327 = arith.constant 0 : i32
    %dma_wait3A_328 = arith.constant 0 : i32
    %dma_wait3A_329 = arith.constant 0 : i32
    %dma_wait3A_330 = tpu.memref_slice %arg6[%dma_wait3A_315, %dma_wait3A_327, %dma_wait3A_328, %dma_wait3A_329] : memref<2x4x200x64xf32, #tpu.memory_space<vmem>> -> memref<1x4x200x64xf32, #tpu.memory_space<vmem>>
    %dma_wait3A_331 = tpu.memref_squeeze %dma_wait3A_330 : memref<1x4x200x64xf32, #tpu.memory_space<vmem>> -> memref<4x200x64xf32, #tpu.memory_space<vmem>>
    tpu.wait_dma2 semaphore(%arg8 : memref<!tpu.dma_semaphore, #tpu.memory_space<semaphore_mem>>) src(%dma_wait3A_331 : memref<4x200x64xf32, #tpu.memory_space<vmem>>) dst(%dma_wait3A_326 : memref<4x200x64xf32, #tpu.memory_space<hbm>>)
    %add3A_332 = arith.constant 124 : i32
    %add3A_333 = arith.addi %mul3A_2, %add3A_332 : i32
    %dma_start3A_334 = arith.constant 1 : i32
    %dma_start3A_335 = arith.constant 0 : i32
    %dma_start3A_336 = arith.constant 0 : i32
    %dma_start3A_337 = arith.constant 0 : i32
    %dma_start3A_338 = tpu.memref_slice %arg6[%dma_start3A_334, %dma_start3A_335, %dma_start3A_336, %dma_start3A_337] : memref<2x4x200x64xf32, #tpu.memory_space<vmem>> -> memref<1x4x200x64xf32, #tpu.memory_space<vmem>>
    %dma_start3A_339 = tpu.memref_squeeze %dma_start3A_338 : memref<1x4x200x64xf32, #tpu.memory_space<vmem>> -> memref<4x200x64xf32, #tpu.memory_space<vmem>>
    %dma_start3A_340 = arith.constant 0 : i32
    %dma_start3A_341 = arith.constant 0 : i32
    %dma_start3A_342 = tpu.memref_slice %arg4[%add3A_333, %dma_start3A_340, %dma_start3A_341] : memref<4096x200x64xf32, #tpu.memory_space<hbm>> -> memref<4x200x64xf32, #tpu.memory_space<hbm>>
    %dma_start3A_343 = arith.constant 0 : i32
    %dma_start3A_344 = arith.constant 0 : i32
    %dma_start3A_345 = tpu.memref_slice %arg4[%add3A_333, %dma_start3A_343, %dma_start3A_344] : memref<4096x200x64xf32, #tpu.memory_space<hbm>> -> memref<4x200x64xf32, #tpu.memory_space<hbm>>
    %dma_start3A_346 = arith.constant 0 : i32
    %dma_start3A_347 = arith.constant 0 : i32
    %dma_start3A_348 = arith.constant 0 : i32
    %dma_start3A_349 = tpu.memref_slice %arg6[%dma_start3A_334, %dma_start3A_346, %dma_start3A_347, %dma_start3A_348] : memref<2x4x200x64xf32, #tpu.memory_space<vmem>> -> memref<1x4x200x64xf32, #tpu.memory_space<vmem>>
    %dma_start3A_350 = tpu.memref_squeeze %dma_start3A_349 : memref<1x4x200x64xf32, #tpu.memory_space<vmem>> -> memref<4x200x64xf32, #tpu.memory_space<vmem>>
    tpu.enqueue_dma source(%dma_start3A_350 : memref<4x200x64xf32, #tpu.memory_space<vmem>>) target(%dma_start3A_345 : memref<4x200x64xf32, #tpu.memory_space<hbm>>) target_semaphore(%arg8 : memref<!tpu.dma_semaphore, #tpu.memory_space<semaphore_mem>>)
    %dma_wait3A_351 = arith.constant 1 : i32
    %dma_wait3A_352 = arith.constant 0 : i32
    %dma_wait3A_353 = arith.constant 0 : i32
    %dma_wait3A_354 = arith.constant 0 : i32
    %dma_wait3A_355 = tpu.memref_slice %arg6[%dma_wait3A_351, %dma_wait3A_352, %dma_wait3A_353, %dma_wait3A_354] : memref<2x4x200x64xf32, #tpu.memory_space<vmem>> -> memref<1x4x200x64xf32, #tpu.memory_space<vmem>>
    %dma_wait3A_356 = tpu.memref_squeeze %dma_wait3A_355 : memref<1x4x200x64xf32, #tpu.memory_space<vmem>> -> memref<4x200x64xf32, #tpu.memory_space<vmem>>
    %dma_wait3A_357 = arith.constant 0 : i32
    %dma_wait3A_358 = arith.constant 0 : i32
    %dma_wait3A_359 = tpu.memref_slice %arg4[%add3A_333, %dma_wait3A_357, %dma_wait3A_358] : memref<4096x200x64xf32, #tpu.memory_space<hbm>> -> memref<4x200x64xf32, #tpu.memory_space<hbm>>
    %dma_wait3A_360 = arith.constant 0 : i32
    %dma_wait3A_361 = arith.constant 0 : i32
    %dma_wait3A_362 = tpu.memref_slice %arg4[%add3A_333, %dma_wait3A_360, %dma_wait3A_361] : memref<4096x200x64xf32, #tpu.memory_space<hbm>> -> memref<4x200x64xf32, #tpu.memory_space<hbm>>
    %dma_wait3A_363 = arith.constant 0 : i32
    %dma_wait3A_364 = arith.constant 0 : i32
    %dma_wait3A_365 = arith.constant 0 : i32
    %dma_wait3A_366 = tpu.memref_slice %arg6[%dma_wait3A_351, %dma_wait3A_363, %dma_wait3A_364, %dma_wait3A_365] : memref<2x4x200x64xf32, #tpu.memory_space<vmem>> -> memref<1x4x200x64xf32, #tpu.memory_space<vmem>>
    %dma_wait3A_367 = tpu.memref_squeeze %dma_wait3A_366 : memref<1x4x200x64xf32, #tpu.memory_space<vmem>> -> memref<4x200x64xf32, #tpu.memory_space<vmem>>
    tpu.wait_dma2 semaphore(%arg8 : memref<!tpu.dma_semaphore, #tpu.memory_space<semaphore_mem>>) src(%dma_wait3A_367 : memref<4x200x64xf32, #tpu.memory_space<vmem>>) dst(%dma_wait3A_362 : memref<4x200x64xf32, #tpu.memory_space<hbm>>)
    return
  }
}

</mosaic_0001>

<sc_bundles>
// kernel: kernel.3.cloned.1.call-start
scs
__scs_entry_jumppad:
0x0: {  	(pc) =	sbr.rel $0x88, $3  }
0x1: {  	(tag) =	ssettag $0x0;
	lr =	simm.s32 $0x1  }
0x2: {  	[smem:$0x3F9F] =	sst lr;
	_ =	strace $0xD0000000  }
0x3: {  	_ = 	snop  }
0x4: {  	_ = 	snop  }
0x5: {  	_ = 	snop  }
0x6: {  	_ = 	snop  }
0x7: {  	_ = 	snop  }
__scs_overlays_trampoline_lowered:
0x8: {  	[smem:$0x3FAE] =	sst s0  }
0x9: {  	[smem:$0x3FAF] =	sst s1  }
0xa: {  	[smem:$0x3FB0] =	sst s2  }
0xb: {  	[smem:$0x3FB1] =	sst s3  }
0xc: {  	[smem:$0x3FB2] =	sst s4  }
0xd: {  	[smem:$0x3FB3] =	sst s5  }
0xe: {  	[smem:$0x3FB4] =	sst s6  }
0xf: {  	[smem:$0x3FB5] =	sst s7  }
0x10: {  	[smem:$0x3FB6] =	sst s8  }
0x11: {  	[smem:$0x3FB7] =	sst s9;
	s0 =	simm.s32 @!p0 $0x0  }
0x12: {  	s1 =	sld [smem:$0x3F9D];
	s0 =	simm.s32 @p0 $0x1  }
0x13: {  	[smem:$0x3FB8] =	sst s0;
	s0 =	simm.s32 @!p1 $0x0  }
0x14: {  	s2 =	sld [smem:$0x3F9C];
	s0 =	simm.s32 @p1 $0x1  }
0x15: {  	[smem:$0x3FB9] =	sst s0;
	s0 =	simm.s32 @!p2 $0x0  }
0x16: {  	s3 =	sld [smem:$0x3FDB];
	s0 =	simm.s32 @p2 $0x1  }
0x17: {  	s4 =	simm.s32 $0x1BF5;
	[smem:$0x3FBB] =	sst s0  }
0x18: {  	s0 =	sld [smem:$0x3F9E];
	_ =	swait.ge [sflag:s4], $0x0  }
0x19: {  	s7 =	sld [smem:$0x3F9F]  }
0x1a: {  	s8 =	sadd.s32 $0xFFFFE003, lr  }
0x1b: {  	s9 =	sadd.s32 $0xFFFFFEF7, lr;
	s5 =	simm.s32 $0xFFFFFFFF;
	p2 =	slt.u32 s8, $0xFFFFF086  }
0x1c: {  	p1 =	slt.u32 s9, $0xF7A;
	s5 =	simm.s32 @!p2 $0x0  }
0x1d: {  	s5 =	simm.s32 @p1 $0x1;
	p0 =	seq.s32 s7, s2  }
0x1e: {  	s7 =	smul.u32 @!p0 $0xF7A, s2;
	p2 =	seq.s32 @!p0 s5, $0x0  }
0x1f: {  	s9 =	smul.u32 $0xF7A, s1;
	s8 =	simm.s32 @!p0 $0x1BF5;
	p2 =	por !p2, p0  }
0x20: {  	[sflag:s8] =	ssyncset.s32 @!p0 $0xFFFFF086;
	s6 =	sadd.s32 @!p0 s3, s7;
	s7 =	simm.s32 @!p0 $0x108  }
0x21: {  	s3 =	sadd.s32 s3, s9;
	s6 =	sadd.s32 @!p0 $0x88, s6;
	s7 =	simm.s32 @p2 $0x1082  }
0x22: {  	[simem:s7], [sflag:s8] =	dma.local @!p0 [hbm:s6], $0xF7A  }
0x23: {  	s9 =	sor.u32 $0xD0000000, s2;
	s6 =	simm.s32 $0x108;
	_ =	swait.ge @!p0 [sflag:s8], $0x0  }
0x24: {  	s3 =	sadd.s32 $0x88, s3;
	s6 =	simm.s32 @!p1 $0x1082;
	[sflag:s4] =	ssyncset.s32 $0xFFFFF086  }
0x25: {  	[simem:s6], [sflag:s4] =	dma.local [hbm:s3], $0xF7A  }
0x26: {  	[smem:$0x3F9F] =	sst s1;
	(tag) =	ssettag s2;
	_ =	strace s9  }
0x27: {  	s1 =	sld [smem:$0x3FAF]  }
0x28: {  	s2 =	sld [smem:$0x3FB0]  }
0x29: {  	s4 =	sld [smem:$0x3FB2]  }
0x2a: {  	p0 =	seq.s32 s5, $0x0;
	s5 =	sld [smem:$0x3FB3]  }
0x2b: {  	s6 =	sld [smem:$0x3FB4]  }
0x2c: {  	s7 =	sld [smem:$0x3FB5]  }
0x2d: {  	s3 =	simm.s32 $0x108;
	s8 =	sld [smem:$0x3FB6]  }
0x2e: {  	s3 =	simm.s32 @!p0 $0x1082;
	s9 =	sld [smem:$0x3FB7]  }
0x2f: {  	lr =	sadd.s32 s0, s3;
	s0 =	sld [smem:$0x3FAE]  }
0x30: {  	s3 =	sld [smem:$0x3FB1]  }
0x31: {  	[smem:$0x3FBA] =	sst s10  }
0x32: {  	s10 =	sld [smem:$0x3FB8];
	_ =	sdelay $0x3  }
0x33: {  	p0 =	seq.s32 s10, $0x1;
	s10 =	sld [smem:$0x3FBA];
	_ =	sdelay $0x3  }
0x34: {  	[smem:$0x3FBA] =	sst s10  }
0x35: {  	s10 =	sld [smem:$0x3FB9];
	_ =	sdelay $0x3  }
0x36: {  	p1 =	seq.s32 s10, $0x1;
	s10 =	sld [smem:$0x3FBA];
	_ =	sdelay $0x3  }
0x37: {  	[smem:$0x3FBA] =	sst s10  }
0x38: {  	s10 =	sld [smem:$0x3FBB]  }
0x39: {  	_ = 	snop;
	(pc) =	sbr.ind lr, $3  }
0x3a: {  	_ = 	snop  }
0x3b: {  	_ = 	snop  }
0x3c: {  	p2 =	seq.s32 s10, $0x1;
	s10 =	sld [smem:$0x3FBA]  }
0x3d: {  	_ =	shalt  }
0x3e: {  	_ =	shalt  }
0x3f: {  	_ =	shalt  }
0x40: {  	_ =	shalt  }
0x41: {  	_ =	shalt  }
0x42: {  	_ =	shalt  }
0x43: {  	_ =	shalt  }
0x44: {  	_ =	shalt  }
0x45: {  	_ =	shalt  }
0x46: {  	_ =	shalt  }
0x47: {  	_ =	shalt  }
0x48: {  	_ =	shalt  }
0x49: {  	_ =	shalt  }
0x4a: {  	_ =	shalt  }
0x4b: {  	_ =	shalt  }
0x4c: {  	_ =	shalt  }
0x4d: {  	_ =	shalt  }
0x4e: {  	_ =	shalt  }
0x4f: {  	_ =	shalt  }
0x50: {  	_ =	shalt  }
0x51: {  	_ =	shalt  }
0x52: {  	_ =	shalt  }
0x53: {  	_ =	shalt  }
0x54: {  	_ =	shalt  }
0x55: {  	_ =	shalt  }
0x56: {  	_ =	shalt  }
0x57: {  	_ =	shalt  }
0x58: {  	_ =	shalt  }
0x59: {  	_ =	shalt  }
0x5a: {  	_ =	shalt  }
0x5b: {  	_ =	shalt  }
0x5c: {  	_ =	shalt  }
0x5d: {  	_ =	shalt  }
0x5e: {  	_ =	shalt  }
0x5f: {  	_ =	shalt  }
0x60: {  	_ =	shalt  }
0x61: {  	_ =	shalt  }
0x62: {  	_ =	shalt  }
0x63: {  	_ =	shalt  }
0x64: {  	_ =	shalt  }
0x65: {  	_ =	shalt  }
0x66: {  	_ =	shalt  }
0x67: {  	_ =	shalt  }
0x68: {  	_ =	shalt  }
0x69: {  	_ =	shalt  }
0x6a: {  	_ =	shalt  }
0x6b: {  	_ =	shalt  }
0x6c: {  	_ =	shalt  }
0x6d: {  	_ =	shalt  }
0x6e: {  	_ =	shalt  }
0x6f: {  	_ =	shalt  }
0x70: {  	_ =	shalt  }
0x71: {  	_ =	shalt  }
0x72: {  	_ =	shalt  }
0x73: {  	_ =	shalt  }
0x74: {  	_ =	shalt  }
0x75: {  	_ =	shalt  }
0x76: {  	_ =	shalt  }
0x77: {  	_ =	shalt  }
0x78: {  	_ =	shalt  }
0x79: {  	_ =	shalt  }
0x7a: {  	_ =	shalt  }
0x7b: {  	_ =	shalt  }
0x7c: {  	_ =	shalt  }
0x7d: {  	_ =	shalt  }
0x7e: {  	_ =	shalt  }
0x7f: {  	_ =	shalt  }
0x80: {  	_ =	shalt  }
0x81: {  	_ =	shalt  }
0x82: {  	_ =	shalt  }
0x83: {  	_ =	shalt  }
0x84: {  	_ =	shalt  }
0x85: {  	_ =	shalt  }
0x86: {  	_ =	shalt  }
0x87: {  	_ =	shalt  }
.Lfunc_end0:
.L_simem_size_0:
called_computation.1_lowered:
.L_overlay_start_0:
0x88: {  	s2 =	sld [smem:$0x3FD9]  }
0x89: {  	s3 =	sld [smem:$0x3FFE];
	_ =	sdelay $0x1  }
0x8a: {  	s1 =	srdreg.scid  }
0x8b: {  	s0 =	sand.u32 $0x1, s1  }
0x8c: {  	s17 =	sshll.u32 s0, $0xA;
	s2 =	sadd.s32 s3, s2  }
0x8d: {  	s2 =	sadd.s32 s2, s17  }
0x8e: {  	[smem:$0x3FC6] =	sst s2  }
0x8f: {  	_ = 	snop  }
0x90: {  	s2 =	sld [smem:$0x3FD0];
	(tm) =	ssettm $0x1  }
0x91: {  	s18 =	sld [smem:$0x3FFB];
	_ =	sdelay $0x3  }
0x92: {  	_ =	strace s18  }
0x93: {  	s3 =	sld [smem:$0x3FFC];
	_ =	sdelay $0x3  }
0x94: {  	_ =	strace s3  }
0x95: {  	s3 =	sld [smem:$0x3FFD];
	_ =	sdelay $0x3  }
0x96: {  	_ =	strace s3  }
0x97: {  	_ =	strace $0x8FFFFFFF  }
0x98: {  	s19 =	sld [smem:$0x3FDB];
	_ =	sdelay $0x1  }
0x99: {  	s4 =	simm.s32 $_scs_section_size  }
0x9a: {  	s5 =	simm.s32 $_size__tile_overlayer_lowered;
	s6 =	simm.s32 $_tile_overlayer_lowered  }
0x9b: {  	s22 =	simm.s32 $0x1BFF;
	s21 =	sshll.u32 s6, $0x1;
	s3 =	sadd.s32 s4, s19  }
0x9c: {  	s7 =	simm.s32 $0x0;
	s20 =	sshll.u32 s5, $0x1;
	s5 =	sadd.s32 s21, s3  }
0x9d: {  	[timem:s7], [sflag:s22] =	dma.local [hbm:s5], s20  }
0x9e: {  	_ =	swait.ge [sflag:s22], s20  }
0x9f: {  	s4 =	ssub.s32 $0x0, s20;
	[sflag:s22] =	ssyncset.done $0x0  }
0xa0: {  	[sflag:s22] =	ssyncadd.s32 s4;
	_ =	sdelay $0x1  }
0xa1: {  	s23 =	simm.s32 $0x1B8B  }
0xa2: {  	_ =	swait.ge [sflag:s23], $0x1  }
0xa3: {  	[sflag:s23] =	ssyncset.done $0x0  }
0xa4: {  	s25 =	simm.s32 $0x1B8E;
	s24 =	sld [smem:$0x3FFE];
	[sflag:s23] =	ssyncadd.s32 $0xFFFFFFFF  }
0xa5: {  	s26 =	simm.s32 $execute0_lowered;
	[smem:$0x3FD2] =	sst s25  }
0xa6: {  	s5 =	sshll.u32 s26, $0x1;
	_ =	strace $0x80000046;
	[dreg:$0x1] =	wrdreg $0xFFFFFFFF  }
0xa7: {  	s28 =	simm.s32 $_size_execute0_lowered;
	s3 =	sadd.s32 s3, s5;
	[dreg:$0x0] =	wrdreg $0x0  }
0xa8: {  	s5 =	sshll.u32 s28, $0x1;
	[dreg:$0x2] =	wrdreg s3  }
0xa9: {  	[dreg:$0x3] =	wrdreg s5  }
0xaa: {  	[dreg:$0x4] =	wrdreg $0xC0  }
0xab: {  	_ =	task [dreg:s7], $0x5FFFF  }
0xac: {  	[dreg:$0x1] =	wrdreg $0xFFFFFFFF  }
0xad: {  	[dreg:$0x0] =	wrdreg $0x60  }
0xae: {  	[dreg:$0x2] =	wrdreg s24  }
0xaf: {  	[dreg:$0x3] =	wrdreg s2  }
0xb0: {  	[dreg:$0x4] =	wrdreg $0x9  }
0xb1: {  	_ =	task.clear_ibuf [dreg:s7], $0x5FFFF;
	_ =	strace $0x90000046  }
0xb2: {  	s29 =	simm.s32 $0x9;
	_ =	strace $0x80000048  }
0xb3: {  	_ =	swait.ge [sflag:s29], $0x1  }
0xb4: {  	[sflag:s29] =	ssyncadd.s32 $0xFFFFFFFF  }
0xb5: {  	_ =	strace $0x90000048  }
0xb6: {  	_ =	sfence  }
0xb7: {  	s30 =	sld [smem:$0x0];
	_ =	sdelay $0x2  }
0xb8: {  	s31 =	sshll.u32 s1, $0xD;
	s1 =	sshrl.u32 s1, $0x2  }
0xb9: {  	s3 =	sand.u32 $0x4000, s31;
	s1 =	sadd.s32 s1, s30  }
0xba: {  	s0 =	sor.u32 s3, s0;
	s1 =	sshll.u32 s1, $0x11  }
0xbb: {  	s0 =	sor.u32 s1, s0  }
0xbc: {  	s0 =	sadd.s32 $0x8F2B, s0  }
0xbd: {  	[sflag:s0] =	ssyncadd.remote.s32 $0x1  }
0xbe: {  	_ =	sfence.sel $0xFFFF  }
0xbf: {  	[dreg:$0x0] =	wrdreg $0xFFFFFFFF;
	(pc) =	sbr.abs _section_cstart, $3  }
0xc0: {  	[dreg:$0x1] =	wrdreg $0xFFFFFFFF  }
0xc1: {  	_ =	task.clear_ibuf [dreg:s7], $0x2FFFF;
	_ =	strace $0x9FFFFFFF  }
0xc2: {  	(tm) =	ssettm $0x7FFFFFFF  }
0xc3: {  	_ =	shalt  }
tec
execute0_lowered:
.L_overlay_start_1:
0x0: {  	(tag) =	ssettag $0x1  }
0x1: {  	s1 =	srdreg.scid;
	s3 =	rddreg [dreg:$0x0]  }
0x2: {  	s0 =	stileid.u32;
	s5 =	rddreg [dreg:$0x1]  }
0x3: {  	s2 =	simm.s32 $0x0;
	s12 =	simm.s32 $0x9600;
	s13 =	simm.s32 $0x190  }
0x4: {  	s14 =	simm.s32 $0xC800;
	s15 =	simm.s32 $0x258;
	s16 =	simm.s32 $0xFA00  }
0x5: {  	s17 =	simm.s32 $0x1;
	s18 =	simm.s32 $0x320;
	s19 =	simm.s32 $0x12C00  }
0x6: {  	s20 =	simm.s32 $0x3E8;
	s21 =	simm.s32 $0x15E00;
	s22 =	simm.s32 $0x4B0  }
0x7: {  	s23 =	simm.s32 $0x19000;
	s24 =	simm.s32 $0x578;
	s25 =	simm.s32 $0x1C200  }
0x8: {  	s26 =	simm.s32 $0x2;
	s28 =	simm.s32 $0x0;
	s4 =	sand.u32 $0x1, s1  }
0x9: {  	s6 =	sshll.u32 s0, $0x8;
	s11 =	smul.u32 $0x64000, s0;
	s7 =	sshll.u32 s4, $0x7  }
0xa: {  	[smem:$0x7FF] =	sst s2;
	s29 =	smul.u32 $0x32000, s4;
	s6 =	sor.u32 s7, s6  }
0xb: {  	_ =	strace $0x80000047;
	s9 =	ssub.s32 $0x2, s4;
	s7 =	smul.u32 $0x19, s6  }
0xc: {  	s10 =	sshrl.u32 s9, $0x1;
	s30 =	sadd.s32 s11, s5;
	s8 =	smul.u32 $0x640, s6  }
0xd: {  	s11 =	simm.s32 $0x6400;
	s6 =	smul.u32 $0x3200, s6;
	s9 =	ssub.s32 s9, s10  }
0xe: {  	s31 =	sadd.s32 s29, s30;
	s10 =	simm.s32 $0xC8;
	s7 =	sadd.s32 s7, s3  }
0xf: {  	s3 =	sadd.s32 $0xF42E00, s3;
	s6 =	sshrl.u32 s6, $0x3;
	s4 =	sadd.s32 $0xA00, s7  }
0x10: {  	s6 =	sadd.s32 s5, s6;
	s5 =	sadd.s32 s5, s8;
	s7 =	smax.u32 s9, $0x1  }
0x11: {  	s8 =	sadd.s32 $0x1900, s31;
	s9 =	simm.s32 $0x3;
	s6 =	sadd.s32 $0x30700, s6  }
.LBB2_1:
0x12: {  	[tilespmem:s2], [sflag:$0x3] =	stream.linear.gather [hbm4b:s4+s2], $0x6400, $0x38;
	[tilespmem:$0x1F400] =	vst v63  }
0x13: {  	_ =	swait.ge [sflag:s9], $0x6400  }
0x14: {  	[sflag:s9] =	ssyncset.done $0x0  }
0x15: {  	[sflag:s9] =	ssyncadd.s32 $0xFFFF9C00  }
0x16: {  	[tilespmem:s11], [sflag:$0x1] =	stream.indirect.gather [hbm4b:s3+s10], $0x40, s2, s10, $0xb8;
	[tilespmem:$0x1F400] =	vst v63  }
0x17: {  	_ = 	snop  }
0x18: {  	[tilespmem:s12], [sflag:$0x1] =	stream.indirect.gather [hbm4b:s3+s10], $0x40, s10, s10, $0xb8;
	[tilespmem:$0x1F400] =	vst v63  }
0x19: {  	_ = 	snop  }
0x1a: {  	[tilespmem:s14], [sflag:$0x1] =	stream.indirect.gather [hbm4b:s3+s10], $0x40, s13, s10, $0xb8;
	[tilespmem:$0x1F400] =	vst v63  }
0x1b: {  	_ = 	snop  }
0x1c: {  	[tilespmem:s16], [sflag:$0x1] =	stream.indirect.gather [hbm4b:s3+s10], $0x40, s15, s10, $0xb8;
	[tilespmem:$0x1F400] =	vst v63  }
0x1d: {  	_ =	swait.ge [sflag:s17], $0x3200  }
0x1e: {  	[sflag:s17] =	ssyncset.done $0x0  }
0x1f: {  	[sflag:s17] =	ssyncadd.s32 $0xFFFFCE00  }
0x20: {  	_ =	swait.ge [sflag:s17], $0x3200  }
0x21: {  	[sflag:s17] =	ssyncset.done $0x0  }
0x22: {  	[sflag:s17] =	ssyncadd.s32 $0xFFFFCE00  }
0x23: {  	_ =	swait.ge [sflag:s17], $0x3200  }
0x24: {  	[sflag:s17] =	ssyncset.done $0x0  }
0x25: {  	[sflag:s17] =	ssyncadd.s32 $0xFFFFCE00  }
0x26: {  	_ =	swait.ge [sflag:s17], $0x3200  }
0x27: {  	[sflag:s17] =	ssyncset.done $0x0  }
0x28: {  	[sflag:s17] =	ssyncadd.s32 $0xFFFFCE00  }
0x29: {  	[hbm4b:s5+s2] =	stream.linear.scatter [tilespmem:s11], [sflag:$0x2], $0xC800, $0x38;
	[tilespmem:$0x1F400] =	vst v63  }
0x2a: {  	_ = 	snop  }
0x2b: {  	[tilespmem:s19], [sflag:$0x1] =	stream.indirect.gather [hbm4b:s3+s10], $0x40, s18, s10, $0xb8;
	[tilespmem:$0x1F400] =	vst v63  }
0x2c: {  	_ = 	snop  }
0x2d: {  	[tilespmem:s21], [sflag:$0x1] =	stream.indirect.gather [hbm4b:s3+s10], $0x40, s20, s10, $0xb8;
	[tilespmem:$0x1F400] =	vst v63  }
0x2e: {  	_ = 	snop  }
0x2f: {  	[tilespmem:s23], [sflag:$0x1] =	stream.indirect.gather [hbm4b:s3+s10], $0x40, s22, s10, $0xb8;
	[tilespmem:$0x1F400] =	vst v63  }
0x30: {  	_ = 	snop  }
0x31: {  	[tilespmem:s25], [sflag:$0x1] =	stream.indirect.gather [hbm4b:s3+s10], $0x40, s24, s10, $0xb8;
	[tilespmem:$0x1F400] =	vst v63  }
0x32: {  	_ =	swait.ge [sflag:s17], $0x3200  }
0x33: {  	[sflag:s17] =	ssyncset.done $0x0  }
0x34: {  	[sflag:s17] =	ssyncadd.s32 $0xFFFFCE00  }
0x35: {  	_ =	swait.ge [sflag:s17], $0x3200  }
0x36: {  	[sflag:s17] =	ssyncset.done $0x0  }
0x37: {  	[sflag:s17] =	ssyncadd.s32 $0xFFFFCE00  }
0x38: {  	_ =	swait.ge [sflag:s17], $0x3200  }
0x39: {  	[sflag:s17] =	ssyncset.done $0x0  }
0x3a: {  	[sflag:s17] =	ssyncadd.s32 $0xFFFFCE00  }
0x3b: {  	_ =	swait.ge [sflag:s17], $0x3200  }
0x3c: {  	[sflag:s17] =	ssyncset.done $0x0  }
0x3d: {  	[sflag:s17] =	ssyncadd.s32 $0xFFFFCE00  }
0x3e: {  	_ =	swait.ge [sflag:s26], $0xC800  }
0x3f: {  	[sflag:s26] =	ssyncset.done $0x0  }
0x40: {  	s29 =	simm.s32 $0x640;
	[sflag:s26] =	ssyncadd.s32 $0xFFFF3800  }
0x41: {  	[tilespmem:s11], [sflag:$0x1] =	stream.indirect.gather [hbm4b:s3+s10], $0x40, s29, s10, $0xb8;
	[tilespmem:$0x1F400] =	vst v63  }
0x42: {  	s29 =	simm.s32 $0x708  }
0x43: {  	[tilespmem:s12], [sflag:$0x1] =	stream.indirect.gather [hbm4b:s3+s10], $0x40, s29, s10, $0xb8;
	[tilespmem:$0x1F400] =	vst v63  }
0x44: {  	s29 =	simm.s32 $0x7D0  }
0x45: {  	[tilespmem:s14], [sflag:$0x1] =	stream.indirect.gather [hbm4b:s3+s10], $0x40, s29, s10, $0xb8;
	[tilespmem:$0x1F400] =	vst v63  }
0x46: {  	s29 =	simm.s32 $0x898  }
0x47: {  	[tilespmem:s16], [sflag:$0x1] =	stream.indirect.gather [hbm4b:s3+s10], $0x40, s29, s10, $0xb8;
	[tilespmem:$0x1F400] =	vst v63  }
0x48: {  	_ = 	snop  }
0x49: {  	[hbm4b:s8+s2] =	stream.linear.scatter [tilespmem:s19], [sflag:$0x2], $0xC800, $0x38;
	[tilespmem:$0x1F400] =	vst v63  }
0x4a: {  	_ =	swait.ge [sflag:s17], $0x3200  }
0x4b: {  	[sflag:s17] =	ssyncset.done $0x0  }
0x4c: {  	[sflag:s17] =	ssyncadd.s32 $0xFFFFCE00  }
0x4d: {  	_ =	swait.ge [sflag:s17], $0x3200  }
0x4e: {  	[sflag:s17] =	ssyncset.done $0x0  }
0x4f: {  	[sflag:s17] =	ssyncadd.s32 $0xFFFFCE00  }
0x50: {  	_ =	swait.ge [sflag:s17], $0x3200  }
0x51: {  	[sflag:s17] =	ssyncset.done $0x0  }
0x52: {  	[sflag:s17] =	ssyncadd.s32 $0xFFFFCE00  }
0x53: {  	_ =	swait.ge [sflag:s17], $0x3200  }
0x54: {  	[sflag:s17] =	ssyncset.done $0x0  }
0x55: {  	[sflag:s17] =	ssyncadd.s32 $0xFFFFCE00  }
0x56: {  	_ =	swait.ge [sflag:s26], $0xC800  }
0x57: {  	[sflag:s26] =	ssyncset.done $0x0  }
0x58: {  	s29 =	simm.s32 $0x960;
	[sflag:s26] =	ssyncadd.s32 $0xFFFF3800  }
0x59: {  	[tilespmem:s19], [sflag:$0x1] =	stream.indirect.gather [hbm4b:s3+s10], $0x40, s29, s10, $0xb8;
	[tilespmem:$0x1F400] =	vst v63  }
0x5a: {  	s29 =	simm.s32 $0xA28  }
0x5b: {  	[tilespmem:s21], [sflag:$0x1] =	stream.indirect.gather [hbm4b:s3+s10], $0x40, s29, s10, $0xb8;
	[tilespmem:$0x1F400] =	vst v63  }
0x5c: {  	s29 =	simm.s32 $0xAF0  }
0x5d: {  	[tilespmem:s23], [sflag:$0x1] =	stream.indirect.gather [hbm4b:s3+s10], $0x40, s29, s10, $0xb8;
	[tilespmem:$0x1F400] =	vst v63  }
0x5e: {  	s29 =	simm.s32 $0xBB8  }
0x5f: {  	[tilespmem:s25], [sflag:$0x1] =	stream.indirect.gather [hbm4b:s3+s10], $0x40, s29, s10, $0xb8;
	[tilespmem:$0x1F400] =	vst v63  }
0x60: {  	s31 =	sadd.s32 $0x1900, s8;
	s30 =	sadd.s32 $0x3200, s8;
	s29 =	simm.s32 $0x1900  }
.LBB2_2:
0x61: {  	[hbm4b:s31+s2] =	stream.linear.scatter [tilespmem:s11], [sflag:$0x2], $0xC800, $0x38;
	[tilespmem:$0x1F400] =	vst v63  }
0x62: {  	s31 =	smov.u32 s29  }
0x63: {  	p0 =	sne.s32 s29, $0x15E00;
	s29 =	sadd.s32 $0x1900, s29;
	_ =	swait.ge [sflag:s17], $0x3200  }
0x64: {  	[sflag:s17] =	ssyncset.done $0x0  }
0x65: {  	[sflag:s17] =	ssyncadd.s32 $0xFFFFCE00  }
0x66: {  	_ =	swait.ge [sflag:s17], $0x3200  }
0x67: {  	[sflag:s17] =	ssyncset.done $0x0  }
0x68: {  	[sflag:s17] =	ssyncadd.s32 $0xFFFFCE00  }
0x69: {  	_ =	swait.ge [sflag:s17], $0x3200  }
0x6a: {  	[sflag:s17] =	ssyncset.done $0x0  }
0x6b: {  	[sflag:s17] =	ssyncadd.s32 $0xFFFFCE00  }
0x6c: {  	_ =	swait.ge [sflag:s17], $0x3200  }
0x6d: {  	[sflag:s17] =	ssyncset.done $0x0  }
0x6e: {  	[sflag:s17] =	ssyncadd.s32 $0xFFFFCE00  }
0x6f: {  	_ =	swait.ge [sflag:s26], $0xC800  }
0x70: {  	s31 =	sshra.s32 s31, $0x2;
	[sflag:s26] =	ssyncset.done $0x0  }
0x71: {  	s1 =	sadd.s32 $0x640, s31;
	[sflag:s26] =	ssyncadd.s32 $0xFFFF3800  }
0x72: {  	[tilespmem:s11], [sflag:$0x1] =	stream.indirect.gather [hbm4b:s3+s10], $0x40, s1, s10, $0xb8;
	[tilespmem:$0x1F400] =	vst v63  }
0x73: {  	s1 =	sadd.s32 $0x708, s31  }
0x74: {  	[tilespmem:s12], [sflag:$0x1] =	stream.indirect.gather [hbm4b:s3+s10], $0x40, s1, s10, $0xb8;
	[tilespmem:$0x1F400] =	vst v63  }
0x75: {  	s1 =	sadd.s32 $0x7D0, s31  }
0x76: {  	[tilespmem:s14], [sflag:$0x1] =	stream.indirect.gather [hbm4b:s3+s10], $0x40, s1, s10, $0xb8;
	[tilespmem:$0x1F400] =	vst v63  }
0x77: {  	s1 =	sadd.s32 $0x898, s31  }
0x78: {  	[tilespmem:s16], [sflag:$0x1] =	stream.indirect.gather [hbm4b:s3+s10], $0x40, s1, s10, $0xb8;
	[tilespmem:$0x1F400] =	vst v63  }
0x79: {  	_ = 	snop  }
0x7a: {  	[hbm4b:s30+s2] =	stream.linear.scatter [tilespmem:s19], [sflag:$0x2], $0xC800, $0x38;
	[tilespmem:$0x1F400] =	vst v63  }
0x7b: {  	_ =	swait.ge [sflag:s17], $0x3200  }
0x7c: {  	[sflag:s17] =	ssyncset.done $0x0  }
0x7d: {  	[sflag:s17] =	ssyncadd.s32 $0xFFFFCE00  }
0x7e: {  	_ =	swait.ge [sflag:s17], $0x3200  }
0x7f: {  	[sflag:s17] =	ssyncset.done $0x0  }
0x80: {  	[sflag:s17] =	ssyncadd.s32 $0xFFFFCE00  }
0x81: {  	_ =	swait.ge [sflag:s17], $0x3200  }
0x82: {  	[sflag:s17] =	ssyncset.done $0x0  }
0x83: {  	[sflag:s17] =	ssyncadd.s32 $0xFFFFCE00  }
0x84: {  	_ =	swait.ge [sflag:s17], $0x3200  }
0x85: {  	[sflag:s17] =	ssyncset.done $0x0  }
0x86: {  	[sflag:s17] =	ssyncadd.s32 $0xFFFFCE00  }
0x87: {  	_ =	swait.ge [sflag:s26], $0xC800  }
0x88: {  	[sflag:s26] =	ssyncset.done $0x0  }
0x89: {  	s1 =	sadd.s32 $0x960, s31;
	[sflag:s26] =	ssyncadd.s32 $0xFFFF3800  }
0x8a: {  	[tilespmem:s19], [sflag:$0x1] =	stream.indirect.gather [hbm4b:s3+s10], $0x40, s1, s10, $0xb8;
	[tilespmem:$0x1F400] =	vst v63  }
0x8b: {  	s1 =	sadd.s32 $0xA28, s31  }
0x8c: {  	[tilespmem:s21], [sflag:$0x1] =	stream.indirect.gather [hbm4b:s3+s10], $0x40, s1, s10, $0xb8;
	[tilespmem:$0x1F400] =	vst v63  }
.Ltmp0:
0x8d: {  	s1 =	sadd.s32 $0xAF0, s31;
	(pc) =	sbr.rel @p0 .LBB2_2-.Ltmp0, $4  }
0x8e: {  	[tilespmem:s23], [sflag:$0x1] =	stream.indirect.gather [hbm4b:s3+s10], $0x40, s1, s10, $0xb8;
	[tilespmem:$0x1F400] =	vst v63  }
0x8f: {  	s1 =	sadd.s32 $0xBB8, s31  }
0x90: {  	[tilespmem:s25], [sflag:$0x1] =	stream.indirect.gather [hbm4b:s3+s10], $0x40, s1, s10, $0xb8;
	[tilespmem:$0x1F400] =	vst v63  }
0x91: {  	s31 =	sadd.s32 $0x1900, s30;
	s30 =	sadd.s32 $0x3200, s30  }
0x92: {  	[hbm4b:s31+s2] =	stream.linear.scatter [tilespmem:s11], [sflag:$0x2], $0xC800, $0x38;
	[tilespmem:$0x1F400] =	vst v63  }
0x93: {  	_ =	swait.ge [sflag:s17], $0x3200  }
0x94: {  	[sflag:s17] =	ssyncset.done $0x0  }
0x95: {  	[sflag:s17] =	ssyncadd.s32 $0xFFFFCE00  }
0x96: {  	_ =	swait.ge [sflag:s17], $0x3200  }
0x97: {  	[sflag:s17] =	ssyncset.done $0x0  }
0x98: {  	[sflag:s17] =	ssyncadd.s32 $0xFFFFCE00  }
0x99: {  	_ =	swait.ge [sflag:s17], $0x3200  }
0x9a: {  	[sflag:s17] =	ssyncset.done $0x0  }
0x9b: {  	[sflag:s17] =	ssyncadd.s32 $0xFFFFCE00  }
0x9c: {  	_ =	swait.ge [sflag:s17], $0x3200  }
0x9d: {  	[sflag:s17] =	ssyncset.done $0x0  }
0x9e: {  	[sflag:s17] =	ssyncadd.s32 $0xFFFFCE00  }
0x9f: {  	s28 =	sadd.s32 $0x1, s28;
	_ =	swait.ge [sflag:s26], $0xC800  }
0xa0: {  	p0 =	sne.s32 s28, s7;
	[sflag:s26] =	ssyncset.done $0x0  }
.Ltmp1:
0xa1: {  	[sflag:s26] =	ssyncadd.s32 $0xFFFF3800;
	(pc) =	sbr.rel @p0 .LBB2_1-.Ltmp1, $4  }
0xa2: {  	[hbm4b:s6+s2] =	stream.linear.scatter [tilespmem:s19], [sflag:$0x2], $0xC800, $0x38;
	[tilespmem:$0x1F400] =	vst v63  }
0xa3: {  	_ =	swait.ge [sflag:s26], $0xC800  }
0xa4: {  	[sflag:s26] =	ssyncset.done $0x0  }
0xa5: {  	[sflag:s26] =	ssyncadd.s32 $0xFFFF3800  }
0xa6: {  	_ =	sfence.sel $0x180000  }
0xa7: {  	[bflag:$0x0] =	sbarrier.arrive $0xFFFF  }
0xa8: {  	_ =	strace $0x90000047  }
0xa9: {  	[bflag:$0x2] =	sbarrier.arrive $0xFFFF  }
0xaa: {  	p0 =	sne.s32 s0, $0x0;
	s0 =	rddreg [dreg:$0x2]  }
0xab: {  	s0 =	sadd.s32 @!p0 $0x100000, s0  }
0xac: {  	[sflag:s0] =	ssyncadd.tile.s32 @!p0 $0x1;
	_ =	shalt  }
.Lfunc_end2:
_tile_overlayer_lowered:
.L_overlay_start_2:
0xad: {  	(tag) =	ssettag $0x2  }
0xae: {  	s0 =	rddreg [dreg:$0x0];
	s2 =	stileid.u32  }
0xaf: {  	s1 =	rddreg [dreg:$0x1];
	p0 =	sne.s32 s2, $0x0  }
0xb0: {  	s3 =	rddreg [dreg:$0x2];
	[bflag:$0x3] =	sbarrier.arrive $0xFFFF;
	s2 =	simm.s32 @!p0 $0x1C03  }
0xb1: {  	[timem:s3], [sflag:s2] =	dma.local @!p0 [hbm:s0], s1  }
0xb2: {  	s0 =	simm.s32 @!p0 $0x3  }
0xb3: {  	_ =	swait.ge @!p0 [sflag:s0], s1  }
0xb4: {  	s1 =	ssub.s32 @!p0 $0x0, s1;
	[sflag:s0] =	ssyncset.done @!p0 $0x0  }
0xb5: {  	[sflag:s0] =	ssyncadd.s32 @!p0 s1  }
0xb6: {  	[bflag:$0x3] =	sbarrier.arrive $0xFFFF  }
0xb7: {  	_ =	shalt  }

// kernel: sparse-core-data-format-call.cloned.1.call-start
scs
called_computation_lowered:
.L_overlay_start_0:
0x0: {  	s2 =	sld [smem:$0x3FD9]  }
0x1: {  	s3 =	sld [smem:$0x3FFE];
	_ =	sdelay $0x1  }
0x2: {  	s1 =	srdreg.scid  }
0x3: {  	s0 =	sand.u32 $0x1, s1  }
0x4: {  	s18 =	sshll.u32 s0, $0xA;
	s2 =	sadd.s32 s3, s2  }
0x5: {  	s2 =	sadd.s32 s2, s18  }
0x6: {  	[smem:$0x3FC6] =	sst s2  }
0x7: {  	_ = 	snop  }
0x8: {  	s2 =	sld [smem:$0x3FD0];
	(tm) =	ssettm $0x1  }
0x9: {  	s19 =	sld [smem:$0x3FFB];
	_ =	sdelay $0x3  }
0xa: {  	_ =	strace s19  }
0xb: {  	s3 =	sld [smem:$0x3FFC];
	_ =	sdelay $0x3  }
0xc: {  	_ =	strace s3  }
0xd: {  	s3 =	sld [smem:$0x3FFD];
	_ =	sdelay $0x3  }
0xe: {  	_ =	strace s3  }
0xf: {  	_ =	strace $0x8FFFFFFF  }
0x10: {  	s20 =	sld [smem:$0x3FDB];
	_ =	sdelay $0x1  }
0x11: {  	s4 =	simm.s32 $_scs_section_size  }
0x12: {  	s5 =	simm.s32 $_size__tile_overlayer_lowered;
	s6 =	simm.s32 $_tile_overlayer_lowered  }
0x13: {  	s23 =	simm.s32 $0x1BFF;
	s22 =	sshll.u32 s6, $0x1;
	s3 =	sadd.s32 s4, s20  }
0x14: {  	s7 =	simm.s32 $0x0;
	s21 =	sshll.u32 s5, $0x1;
	s5 =	sadd.s32 s22, s3  }
0x15: {  	[timem:s7], [sflag:s23] =	dma.local [hbm:s5], s21  }
0x16: {  	_ =	swait.ge [sflag:s23], s21  }
0x17: {  	s4 =	ssub.s32 $0x0, s21;
	[sflag:s23] =	ssyncset.done $0x0  }
0x18: {  	[sflag:s23] =	ssyncadd.s32 s4;
	_ =	sdelay $0x1  }
0x19: {  	s24 =	simm.s32 $0x1B8B  }
0x1a: {  	_ =	swait.ge [sflag:s24], $0x1  }
0x1b: {  	[sflag:s24] =	ssyncset.done $0x0  }
0x1c: {  	s26 =	simm.s32 $0x1B8E;
	s25 =	sld [smem:$0x3FFE];
	[sflag:s24] =	ssyncadd.s32 $0xFFFFFFFF  }
0x1d: {  	s27 =	simm.s32 $execute0_lowered;
	[smem:$0x3FD2] =	sst s26  }
0x1e: {  	s5 =	sshll.u32 s27, $0x1;
	_ =	strace $0x80000049;
	[dreg:$0x1] =	wrdreg $0xFFFFFFFF  }
0x1f: {  	s28 =	simm.s32 $_size_execute0_lowered;
	s3 =	sadd.s32 s3, s5;
	[dreg:$0x0] =	wrdreg $0x0  }
0x20: {  	s5 =	sshll.u32 s28, $0x1;
	[dreg:$0x2] =	wrdreg s3  }
0x21: {  	[dreg:$0x3] =	wrdreg s5  }
0x22: {  	[dreg:$0x4] =	wrdreg $0xC0  }
0x23: {  	_ =	task [dreg:s7], $0x5FFFF  }
0x24: {  	[dreg:$0x1] =	wrdreg $0xFFFFFFFF  }
0x25: {  	[dreg:$0x0] =	wrdreg $0x60  }
0x26: {  	[dreg:$0x2] =	wrdreg s25  }
0x27: {  	[dreg:$0x3] =	wrdreg s2  }
0x28: {  	[dreg:$0x4] =	wrdreg $0x9  }
0x29: {  	_ =	task.clear_ibuf [dreg:s7], $0x5FFFF;
	_ =	strace $0x90000049  }
0x2a: {  	s29 =	simm.s32 $0x9;
	_ =	strace $0x8000004B  }
0x2b: {  	_ =	swait.ge [sflag:s29], $0x1  }
0x2c: {  	[sflag:s29] =	ssyncadd.s32 $0xFFFFFFFF  }
0x2d: {  	_ =	strace $0x9000004B  }
0x2e: {  	_ =	sfence  }
0x2f: {  	s30 =	sld [smem:$0x0];
	_ =	sdelay $0x2  }
0x30: {  	s31 =	sshll.u32 s1, $0xD;
	s1 =	sshrl.u32 s1, $0x2  }
0x31: {  	s3 =	sand.u32 $0x4000, s31;
	s1 =	sadd.s32 s1, s30  }
0x32: {  	s0 =	sor.u32 s3, s0;
	s1 =	sshll.u32 s1, $0x11  }
0x33: {  	s0 =	sor.u32 s1, s0  }
0x34: {  	s0 =	sadd.s32 $0x8F2B, s0  }
0x35: {  	[sflag:s0] =	ssyncadd.remote.s32 $0x1  }
0x36: {  	_ =	sfence.sel $0xFFFF  }
0x37: {  	[dreg:$0x0] =	wrdreg $0xFFFFFFFF;
	(pc) =	sbr.abs _section_cstart, $3  }
0x38: {  	[dreg:$0x1] =	wrdreg $0xFFFFFFFF  }
0x39: {  	_ =	task.clear_ibuf [dreg:s7], $0x2FFFF;
	_ =	strace $0x9FFFFFFF  }
0x3a: {  	(tm) =	ssettm $0x7FFFFFFF  }
0x3b: {  	_ =	shalt  }
tec
execute0_lowered:
.L_overlay_start_1:
0x0: {  	(tag) =	ssettag $0x1  }
0x1: {  	s0 =	srdreg.scid  }
0x2: {  	s1 =	sshll.u32 s0, $0x4  }
0x3: {  	s0 =	stileid.u32;
	s1 =	sand.u32 $0x10, s1  }
0x4: {  	s1 =	sor.u32 s0, s1  }
0x5: {  	s6 =	rddreg [dreg:$0x0];
	s4 =	simm.s32 $0x1;
	s2 =	sshll.u32 s1, $0x7  }
0x6: {  	s7 =	simm.s32 $0x2;
	s12 =	simm.s32 $0x0;
	s1 =	ssub.s32 $0x1000, s2  }
0x7: {  	s8 =	simm.s32 $0x8000;
	s13 =	simm.s32 $0x0;
	s3 =	sand.u32 $0xF80, s1  }
0x8: {  	s9 =	simm.s32 $0x0;
	s5 =	sshrl.u32 s1, $0xC;
	p0 =	sne.s32 s3, $0x0  }
.Ltmp0:
0x9: {  	s1 =	rddreg [dreg:$0x2];
	s4 =	simm.s32 @!p0 $0x0;
	(pc) =	sbr.rel .LBB1_1-.Ltmp0, $4  }
0xa: {  	s11 =	simm.s32 $0x0;
	s3 =	rddreg [dreg:$0x1];
	s5 =	sadd.s32 s4, s5  }
0xb: {  	_ =	strace $0x8000004A;
	s4 =	simm.s32 $0x1;
	s5 =	smul.u32 $0xC8, s5  }
0xc: {  	s6 =	sadd.s32 $0xA00, s6;
	s10 =	smov.u32 s2;
	[sflag:s4] =	ssyncpa.u1 $0x0  }
0xd: {  	p0 =	por $0x0, $0x0;
	[sflag:s7] =	ssyncpa.u1 $0x0;
	s7 =	sor.u32 $0x1, s5  }
.LBB1_4:
0xe: {  	s16 =	sshll.u32 s13, $0x3;
	s17 =	sand.u32 $0x78, s13  }
0xf: {  	s30 =	sand.u32 $0x7E00, s13;
	s12 =	sshll.u32 s12, $0xF;
	s16 =	sand.u32 $0xC00, s16  }
0x10: {  	[tilespmem:s15+$0x810 ss:$0x81] =	vst.msk $0xffff, v2;
	s31 =	sand.u32 $0x7, s13;
	s16 =	sor.u32 s17, s16;
	s17 =	sadd.s32 s3, s30  }
0x11: {  	[tilespmem:s15+$0x1020 ss:$0x81] =	vst.msk $0xffff, v0;
	s13 =	sshll.u32 s31, $0x12;
	s12 =	sadd.s32 s12, s17;
	s16 =	sshrl.u32 s16, $0x3  }
0x12: {  	[tilespmem:s15+$0x0 ss:$0x81] =	vst.msk $0xffff, v1;
	s13 =	sor.u32 $0x400, s13;
	s12 =	sadd.s32 s16, s12  }
0x13: {  	[hbm4b:s12+s13] =	stream.strided.scatter [tilespmem:s14], [sflag:$0x2], $0x2000, s8, s13, $0x20;
	[tilespmem:$0x8080] =	vst v63  }
.LBB1_5:
0x14: {  	s14 =	sadd.s32 $0x1, s9  }
0x15: {  	s12 =	sadd.s32 $0x1000, s10;
	s16 =	smov.u32 s10;
	p2 =	sgt.s32 s14, $0xC7  }
0x16: {  	s16 =	smov.u32 @p2 s12  }
0x17: {  	s14 =	simm.s32 @p2 $0x0;
	p2 =	sgt.s32 s16, $0xFFF  }
0x18: {  	s16 =	smov.u32 @p2 s2;
	p2 =	sne.s32 s11, s7  }
.Ltmp1:
0x19: {  	p1 =	slt.u32 s11, $0x2;
	(pc) =	sbr.rel @!p2 .LBB1_6-.Ltmp1, $4  }
0x1a: {  	s15 =	simm.s32 @!p1 $0x2  }
0x1b: {  	s13 =	smov.u32 s10;
	p0 =	por !p0, !p0;
	_ =	swait.ge @!p1 [sflag:s15], $0x2000  }
0x1c: {  	s12 =	smov.u32 s9;
	[sflag:s15] =	ssyncset.done @!p1 $0x0;
	s9 =	smov.u32 s14  }
0x1d: {  	s11 =	sadd.s32 $0x1, s11;
	[sflag:s15] =	ssyncadd.s32 @!p1 $0xFFFFE000;
	s10 =	smov.u32 s16  }
.LBB1_1:
0x1e: {  	p1 =	sge.u32 s11, s5  }
0x1f: {  	s14 =	sand.u32 @!p1 $0x1FFFFFF, s9  }
0x20: {  	s15 =	smulhi.u32 @!p1 $0x147AE15, s14;
	_ =	sdelay $0x1  }
0x21: {  	s15 =	smul.u32 @!p1 $0xC8, s15  }
0x22: {  	s16 =	sxor.u32 @!p1 $0xFFFFFFFF, s11;
	s17 =	smul.u32 @!p1 $0xC80, s10  }
0x23: {  	s31 =	sadd.s32 $0xFFFFFFFF, s11;
	s16 =	sshll.u32 @!p1 s16, $0xD;
	s14 =	ssub.s32 @!p1 s14, s15  }
0x24: {  	s15 =	sand.u32 @!p1 $0x2000, s16;
	s16 =	sadd.s32 @!p1 s6, s17;
	s14 =	sshll.u32 @!p1 s14, $0x4  }
0x25: {  	s17 =	simm.s32 @!p1 $0x6400;
	s14 =	sadd.s32 @!p1 s14, s16;
	s16 =	simm.s32 @!p1 $0x40  }
0x26: {  	[tilespmem:s15], [sflag:$0x1] =	stream.strided.gather @!p1 [hbm4b:s14+s16], $0x2000, s17, s16, $0x38;
	[tilespmem:$0x8080] =	vst v63  }
0x27: {  	p1 =	sge.u32 s31, s5  }
.Ltmp2:
0x28: {  	_ = 	snop;
	(pc) =	sbr.rel @p1 .LBB1_5-.Ltmp2, $1  }
0x29: {  	_ =	sdelay $0x3  }
0x2a: {  	s14 =	simm.s32 $0x1  }
0x2b: {  	_ =	swait.ge [sflag:s4], $0x2000;
	s14 =	simm.s32 @!p0 $0x0  }
0x2c: {  	[sflag:s4] =	ssyncset.done $0x0;
	s15 =	sshll.u32 s14, $0xD  }
0x2d: {  	[sflag:s4] =	ssyncadd.s32 $0xFFFFE000;
	s18 =	sor.u32 $0x20, s15  }
0x2e: {  	s14 =	smul.u32 $0x8100, s14;
	v3 =	vld [tilespmem:s18+$0x10]  }
0x2f: {  	s30 =	sand.u32 $0x1, s11;
	v2 =	vld [tilespmem:s18+$0xFFFFFFF0]  }
0x30: {  	s15 =	smul.u32 $0x8100, s30;
	s14 =	sshrl.u32 s14, $0x2;
	v0 =	vld [tilespmem:s18+$0x0]  }
0x31: {  	v1 =	vld [tilespmem:s18+$0xFFFFFFE0];
	s16 =	sor.u32 $0x4000, s14  }
0x32: {  	s31 =	sshrl.u32 s15, $0x2;
	s15 =	sadd.s32 $0x0, s16  }
0x33: {  	s17 =	simm.s32 $0x4;
	s18 =	sadd.s32 $0x40, s18;
	s14 =	sor.u32 $0x4000, s31;
	[tilespmem:s15+$0x1830 ss:$0x81] =	vst.msk $0xffff, v3  }
.LBB1_3:
0x34: {  	v3 =	vld [tilespmem:s18+$0x10];
	p1 =	sne.s32 s17, $0x1FC;
	[tilespmem:s15+$0x810 ss:$0x81] =	vst.msk $0xffff, v2;
	s19 =	smov.u32 s17;
	s17 =	sadd.s32 $0x4, s17  }
.Ltmp3:
0x35: {  	v2 =	vld [tilespmem:s18+$0xFFFFFFF0];
	[tilespmem:s15+$0x1020 ss:$0x81] =	vst.msk $0xffff, v0;
	(pc) =	sbr.rel @p1 .LBB1_3-.Ltmp3, $4  }
0x36: {  	v0 =	vld [tilespmem:s18+$0x0];
	[tilespmem:s15+$0x0 ss:$0x81] =	vst.msk $0xffff, v1  }
0x37: {  	s15 =	sshra.s32 s19, $0x2;
	v1 =	vld [tilespmem:s18+$0xFFFFFFE0]  }
0x38: {  	s15 =	sadd.s32 s15, s16  }
0x39: {  	s18 =	sadd.s32 $0x40, s18;
	[tilespmem:s15+$0x1830 ss:$0x81] =	vst.msk $0xffff, v3  }
.Ltmp4:
0x3a: {  	_ = 	snop;
	(pc) =	sbr.rel .LBB1_4-.Ltmp4, $1  }
0x3b: {  	_ =	sdelay $0x3  }
.LBB1_6:
0x3c: {  	_ =	sfence.sel $0x180000  }
0x3d: {  	s2 =	simm.s32 $0x1;
	[bflag:$0x0] =	sbarrier.arrive $0xFFFF  }
0x3e: {  	s31 =	simm.s32 $0x2;
	[sflag:s2] =	ssyncpa.u1 $0x1  }
0x3f: {  	[sflag:s31] =	ssyncpa.u1 $0x1  }
0x40: {  	p0 =	sne.s32 s0, $0x0;
	_ =	strace $0x9000004A  }
0x41: {  	s0 =	sadd.s32 @!p0 $0x100000, s1;
	[bflag:$0x2] =	sbarrier.arrive $0xFFFF  }
0x42: {  	[sflag:s0] =	ssyncadd.tile.s32 @!p0 $0x1;
	_ =	shalt  }
.Lfunc_end1:
_tile_overlayer_lowered:
.L_overlay_start_2:
0x43: {  	(tag) =	ssettag $0x2  }
0x44: {  	s0 =	rddreg [dreg:$0x0];
	s2 =	stileid.u32  }
0x45: {  	s1 =	rddreg [dreg:$0x1];
	p0 =	sne.s32 s2, $0x0  }
0x46: {  	s3 =	rddreg [dreg:$0x2];
	[bflag:$0x3] =	sbarrier.arrive $0xFFFF;
	s2 =	simm.s32 @!p0 $0x1C01  }
0x47: {  	[timem:s3], [sflag:s2] =	dma.local @!p0 [hbm:s0], s1  }
0x48: {  	s0 =	simm.s32 @!p0 $0x1  }
0x49: {  	_ =	swait.ge @!p0 [sflag:s0], s1  }
0x4a: {  	s1 =	ssub.s32 @!p0 $0x0, s1;
	[sflag:s0] =	ssyncset.done @!p0 $0x0  }
0x4b: {  	[sflag:s0] =	ssyncadd.s32 @!p0 s1  }
0x4c: {  	[bflag:$0x3] =	sbarrier.arrive $0xFFFF  }
0x4d: {  	_ =	shalt  }

</sc_bundles>
